<compile_context>
chip_gen: v7x
topology: tpu7x:2x2x1
jax: 0.10.2.dev20260603
libtpu: 0.0.44.dev20260713+nightly
codegen_flags: <defaults>
</compile_context>

<pallas_src>
import functools

import jax
import jax.numpy as jnp
from jax import lax
from jax.experimental import pallas as pl
from jax.experimental.pallas import tpu as pltpu
from jax.experimental.pallas import tpu_sc as plsc

N = 10000
E = 320000
D = 128
H = 256
G = 128

NC = 2
NS = 16
NW = NC * NS
CH = 80
EPT = E // NW
NCHUNK = EPT // CH
NPAD = 10240
RPS = NPAD // NS


SUP = 2000
NSUP = EPT // SUP
CPS = SUP // CH


def _edge_body(h_hbm, src_hbm, dst_hbm, ea_hbm, zero_hbm, out_hbm,
               src_sv, dst_sv, dst_v, lin_v, hrow_v, ea_v, acc_sh,
               sem_g, sem_e):
    cid = lax.axis_index("c")
    sid = lax.axis_index("s")
    wid = cid * NS + sid
    base = wid * EPT

    pltpu.sync_copy(zero_hbm.at[pl.ds(sid * RPS, RPS)],
                    acc_sh.at[pl.ds(sid * RPS, RPS)])
    plsc.subcore_barrier()

    iota16 = lax.iota(jnp.int32, 16)

    def sup(si, carry):
        soff = base + si * SUP
        pltpu.sync_copy(src_hbm.at[pl.ds(soff, SUP)], src_sv)
        pltpu.sync_copy(dst_hbm.at[pl.ds(soff, SUP)], dst_sv)

        def chunk(k, c1):
            off = soff + k * CH
            for c in range(CH // 16):
                lin_v[pl.ds(c * 16, 16)] = iota16 + (off + c * 16)
                dst_v[pl.ds(c * 16, 16)] = dst_sv[pl.ds(k * CH + c * 16, 16)]
            cp_g = pltpu.async_copy(
                h_hbm.at[src_sv.at[pl.ds(k * CH, CH)]], hrow_v, sem_g)
            cp_e = pltpu.async_copy(ea_hbm.at[lin_v], ea_v, sem_e)
            cp_g.wait()
            cp_e.wait()

            def row(r, c2):
                for c in range(D // 16):
                    sl = pl.ds(c * 16, 16)
                    v = hrow_v[r, sl] + ea_v[r, sl]
                    hrow_v[r, sl] = jnp.maximum(v, 0.0)
                return c2

            lax.fori_loop(0, CH, row, 0)
            pltpu.sync_copy(hrow_v, acc_sh.at[dst_v], add=True)
            return c1

        lax.fori_loop(0, CPS, chunk, 0)
        return carry

    lax.fori_loop(0, NSUP, sup, 0)
    plsc.subcore_barrier()
    pltpu.sync_copy(acc_sh.at[pl.ds(sid * RPS, RPS)],
                    out_hbm.at[cid].at[pl.ds(sid * RPS, RPS)])


@functools.lru_cache(maxsize=None)
def _edge_kernel():
    return pl.kernel(
        _edge_body,
        out_type=jax.ShapeDtypeStruct((NC, NPAD, D), jnp.float32),
        mesh=plsc.VectorSubcoreMesh(core_axis_name="c", subcore_axis_name="s",
                                    num_cores=NC, num_subcores=NS),
        scratch_types=[
            pltpu.VMEM((SUP,), jnp.int32),
            pltpu.VMEM((SUP,), jnp.int32),
            pltpu.VMEM((CH,), jnp.int32),
            pltpu.VMEM((CH,), jnp.int32),
            pltpu.VMEM((CH, D), jnp.float32),
            pltpu.VMEM((CH, D), jnp.float32),
            pltpu.VMEM_SHARED((NPAD, D), jnp.float32),
            pltpu.SemaphoreType.DMA,
            pltpu.SemaphoreType.DMA,
        ],
    )


def _edge_call(h, src, dst, ea, zeros):
    return _edge_kernel()(h, src, dst, ea, zeros)


def _bn(z, g, b):
    mu = jnp.mean(z, axis=0, keepdims=True)
    var = jnp.mean((z - mu) ** 2, axis=0, keepdims=True)
    return (z - mu) / jnp.sqrt(var + 1e-05) * g + b


def _mm(a, b):
    return jnp.dot(a, b, preferred_element_type=jnp.float32)


def _mmh(a, b):
    return jnp.dot(a, b, preferred_element_type=jnp.float32,
                   precision=lax.Precision.HIGHEST)


def _mmT(a, b):
    return lax.dot_general(a, b, (((0,), (0,)), ((), ())),
                           preferred_element_type=jnp.float32,
                           precision=lax.Precision.HIGHEST)


def _dense0_body(h0_r, agg_r, batch_r, eps_r,
                 W1_r, b1_r, g1_r, be1_r, W2_r, b2_r, bng_r, bnb_r,
                 vW1_r, vb1_r, vg1_r, vbe1_r, vW2_r, vb2_r, vg2_r, vbe2_r,
                 out_r):
    h0 = h0_r[...]
    pre = (1.0 + eps_r[0, 0]) * h0 + agg_r[0, :N] + agg_r[1, :N]
    z = _bn(_mm(pre, W1_r[...]) + b1_r[...], g1_r[...], be1_r[...])
    m = jnp.maximum(z, 0.0)
    h = _mm(m, W2_r[...]) + b2_r[...]
    h = _bn(h, bng_r[...], bnb_r[...])
    h1a = jnp.maximum(h, 0.0)
    oh = (batch_r[...] == lax.broadcasted_iota(jnp.int32, (N, G), 1))
    oh = oh.astype(jnp.float32)
    vt = _mmT(oh, h0)
    zz = _bn(_mm(vt, vW1_r[...]) + vb1_r[...], vg1_r[...], vbe1_r[...])
    vmid = jnp.maximum(zz, 0.0)
    zz2 = _bn(_mm(vmid, vW2_r[...]) + vb2_r[...], vg2_r[...], vbe2_r[...])
    vn = jnp.maximum(zz2, 0.0)
    out_r[...] = h1a + _mmh(oh, vn)


def _dense1_body(h1_r, agg_r, batch_r, eps_r,
                 W1_r, b1_r, g1_r, be1_r, W2_r, b2_r, bng_r, bnb_r,
                 pW_r, pb_r, out_r):
    h1 = h1_r[...]
    pre = (1.0 + eps_r[0, 0]) * h1 + agg_r[0, :N] + agg_r[1, :N]
    z = _bn(_mm(pre, W1_r[...]) + b1_r[...], g1_r[...], be1_r[...])
    m = jnp.maximum(z, 0.0)
    h = _mm(m, W2_r[...]) + b2_r[...]
    hn = _bn(h, bng_r[...], bnb_r[...])
    oh = (batch_r[...] == lax.broadcasted_iota(jnp.int32, (N, G), 1))
    oh = oh.astype(jnp.float32)
    sums = _mmT(oh, hn)
    counts = _mmT(oh, jnp.ones((N, 1), jnp.float32))
    h_graph = sums / jnp.maximum(counts, 1.0)
    out_r[...] = _mm(h_graph, pW_r[...]) + pb_r[...]


_TC_PARAMS = pltpu.CompilerParams(vmem_limit_bytes=100 * 1024 * 1024)
_dense0 = pl.pallas_call(
    _dense0_body, out_shape=jax.ShapeDtypeStruct((N, D), jnp.float32),
    compiler_params=_TC_PARAMS)
_dense1 = pl.pallas_call(
    _dense1_body, out_shape=jax.ShapeDtypeStruct((G, 1), jnp.float32),
    compiler_params=_TC_PARAMS)


def kernel(x, edge_index, edge_attr, batch, train, eps0, c0_W1, c0_b1,
           c0_g1, c0_be1, c0_W2, c0_b2, bn0_g, bn0_b, eps1, c1_W1, c1_b1,
           c1_g1, c1_be1, c1_W2, c1_b2, bn1_g, bn1_b, vn_W1, vn_b1, vn_g1,
           vn_be1, vn_W2, vn_b2, vn_g2, vn_be2, pred_W, pred_b):
    src = edge_index[0]
    dst = edge_index[1]
    zeros = jnp.zeros((NPAD, D), jnp.float32)
    batch2 = batch.reshape(N, 1)
    r1 = lambda v: v.reshape(1, -1)

    h0 = x
    agg0 = _edge_call(h0, src, dst, edge_attr, zeros)
    h1 = _dense0(h0, agg0, batch2, eps0.reshape(1, 1),
                 c0_W1, r1(c0_b1), r1(c0_g1), r1(c0_be1), c0_W2, r1(c0_b2),
                 r1(bn0_g), r1(bn0_b),
                 vn_W1, r1(vn_b1), r1(vn_g1), r1(vn_be1), vn_W2, r1(vn_b2),
                 r1(vn_g2), r1(vn_be2))
    agg1 = _edge_call(h1, src, dst, edge_attr, zeros)
    return _dense1(h1, agg1, batch2, eps1.reshape(1, 1),
                   c1_W1, r1(c1_b1), r1(c1_g1), r1(c1_be1), c1_W2,
                   r1(c1_b2), r1(bn1_g), r1(bn1_b), pred_W, r1(pred_b))

# --- scband reference (transcript-rebuilt; emitter-appended) ---
"""Pipeline reference for scband-gnn-68470368633039 (READ-ONLY COPY).

The authoritative reference and input builder live on the scoring server;
editing this copy changes nothing except your own understanding.
"""

import jax, jax.numpy as jnp
import numpy as np

N = 10000
E = 320000
D = 128
H = 256
G = 128
T = 1


def _bn(x, gamma, beta):
    mu = jnp.mean(x, axis=0, keepdims=True)
    var = jnp.var(x, axis=0, keepdims=True)
    return (x - mu) / jnp.sqrt(var + 1e-05) * gamma + beta


def _gin_conv(h, src, dst, edge_attr, eps, W1, b1, g1, be1, W2, b2):
    msg = jax.nn.relu(h[src] + edge_attr)
    agg = jax.ops.segment_sum(msg, dst, num_segments=N)
    pre = (1.0 + eps) * h + agg
    m = jax.nn.relu(_bn(pre @ W1 + b1, g1, be1))
    return m @ W2 + b2


def setup_inputs(seed: int = 0):
    key = jax.random.key(seed)
    ks = jax.random.split(key, 16)
    s = 0.05
    inp = {}
    inp['x'] = jax.random.normal(ks[0], (N, D), dtype=jnp.float32)
    inp['edge_index'] = jax.random.randint(ks[1], (2, E), 0, N, dtype=jnp.int32)
    inp['edge_attr'] = jax.random.normal(ks[2], (E, D), dtype=jnp.float32)
    inp['batch'] = jnp.sort(jax.random.randint(ks[3], (N,), 0, G, dtype=jnp.int32))
    inp['train'] = False
    inp['eps0'] = jnp.zeros((), dtype=jnp.float32)
    inp['c0_W1'] = jax.random.normal(ks[4], (D, H), dtype=jnp.float32) * s
    inp['c0_b1'] = jnp.zeros((H,), dtype=jnp.float32)
    inp['c0_g1'] = jnp.ones((H,), dtype=jnp.float32)
    inp['c0_be1'] = jnp.zeros((H,), dtype=jnp.float32)
    inp['c0_W2'] = jax.random.normal(ks[5], (H, D), dtype=jnp.float32) * s
    inp['c0_b2'] = jnp.zeros((D,), dtype=jnp.float32)
    inp['bn0_g'] = jnp.ones((D,), dtype=jnp.float32)
    inp['bn0_b'] = jnp.zeros((D,), dtype=jnp.float32)
    inp['eps1'] = jnp.zeros((), dtype=jnp.float32)
    inp['c1_W1'] = jax.random.normal(ks[6], (D, H), dtype=jnp.float32) * s
    inp['c1_b1'] = jnp.zeros((H,), dtype=jnp.float32)
    inp['c1_g1'] = jnp.ones((H,), dtype=jnp.float32)
    inp['c1_be1'] = jnp.zeros((H,), dtype=jnp.float32)
    inp['c1_W2'] = jax.random.normal(ks[7], (H, D), dtype=jnp.float32) * s
    inp['c1_b2'] = jnp.zeros((D,), dtype=jnp.float32)
    inp['bn1_g'] = jnp.ones((D,), dtype=jnp.float32)
    inp['bn1_b'] = jnp.zeros((D,), dtype=jnp.float32)
    inp['vn_W1'] = jax.random.normal(ks[8], (D, H), dtype=jnp.float32) * s
    inp['vn_b1'] = jnp.zeros((H,), dtype=jnp.float32)
    inp['vn_g1'] = jnp.ones((H,), dtype=jnp.float32)
    inp['vn_be1'] = jnp.zeros((H,), dtype=jnp.float32)
    inp['vn_W2'] = jax.random.normal(ks[9], (H, D), dtype=jnp.float32) * s
    inp['vn_b2'] = jnp.zeros((D,), dtype=jnp.float32)
    inp['vn_g2'] = jnp.ones((D,), dtype=jnp.float32)
    inp['vn_be2'] = jnp.zeros((D,), dtype=jnp.float32)
    inp['pred_W'] = jax.random.normal(ks[10], (D, T), dtype=jnp.float32) * s
    inp['pred_b'] = jnp.zeros((T,), dtype=jnp.float32)
    return inp


def reference(x, edge_index, edge_attr, batch, train, eps0, c0_W1, c0_b1, c0_g1, c0_be1, c0_W2, c0_b2, bn0_g, bn0_b, eps1, c1_W1, c1_b1, c1_g1, c1_be1, c1_W2, c1_b2, bn1_g, bn1_b, vn_W1, vn_b1, vn_g1, vn_be1, vn_W2, vn_b2, vn_g2, vn_be2, pred_W, pred_b):
    src = edge_index[0]
    dst = edge_index[1]
    vn = jnp.zeros((G, D), dtype=x.dtype)
    h0 = x + vn[batch]
    h = _gin_conv(h0, src, dst, edge_attr, eps0, c0_W1, c0_b1, c0_g1, c0_be1, c0_W2, c0_b2)
    h = _bn(h, bn0_g, bn0_b)
    h1 = jax.nn.relu(h)
    vn_tmp = jax.ops.segment_sum(h0, batch, num_segments=G) + vn
    vn_mid = jax.nn.relu(_bn(vn_tmp @ vn_W1 + vn_b1, vn_g1, vn_be1))
    vn = jax.nn.relu(_bn(vn_mid @ vn_W2 + vn_b2, vn_g2, vn_be2))
    h1 = h1 + vn[batch]
    h = _gin_conv(h1, src, dst, edge_attr, eps1, c1_W1, c1_b1, c1_g1, c1_be1, c1_W2, c1_b2)
    h_node = _bn(h, bn1_g, bn1_b)
    sums = jax.ops.segment_sum(h_node, batch, num_segments=G)
    counts = jax.ops.segment_sum(jnp.ones((N, 1), dtype=x.dtype), batch, num_segments=G)
    h_graph = sums / jnp.clip(counts, 1.0)
    prediction = h_graph @ pred_W + pred_b
    return prediction

if __name__ == "__main__":
    import jax
    _d = setup_inputs()
    print(jax.jit(kernel)(*tuple(_d.values())))

</pallas_src>

<mosaic_0001>
#map = affine_map<(d0, d1) -> (0, 0)>
#map1 = affine_map<(d0, d1) -> (0)>
#map2 = affine_map<(d0, d1) -> (0, 0, 0)>
module attributes {stable_mosaic.version = 14 : i64} {
  func.func @_edge_body(%arg0: i32, %arg1: i32, %arg2: memref<10000x128xf32, #tpu.memory_space<hbm>>, %arg3: memref<320000xi32, #tpu.memory_space<hbm>>, %arg4: memref<320000xi32, #tpu.memory_space<hbm>>, %arg5: memref<320000x128xf32, #tpu.memory_space<hbm>>, %arg6: memref<10240x128xf32, #tpu.memory_space<hbm>>, %arg7: memref<2x10240x128xf32, #tpu.memory_space<hbm>>, %arg8: memref<2000xi32, #tpu.memory_space<vmem>>, %arg9: memref<2000xi32, #tpu.memory_space<vmem>>, %arg10: memref<80xi32, #tpu.memory_space<vmem>>, %arg11: memref<80xi32, #tpu.memory_space<vmem>>, %arg12: memref<80x128xf32, #tpu.memory_space<vmem>>, %arg13: memref<80x128xf32, #tpu.memory_space<vmem>>, %arg14: memref<10240x128xf32, #tpu.memory_space<vmem_shared>>, %arg15: memref<!tpu.dma_semaphore, #tpu.memory_space<semaphore_mem>>, %arg16: memref<!tpu.dma_semaphore, #tpu.memory_space<semaphore_mem>>) attributes {dimension_semantics = [#tpu.dimension_semantics<core_parallel>, #tpu.dimension_semantics<subcore_parallel>], iteration_bounds = array<i64: 2, 16>, scalar_prefetch = 0 : i64, scratch_operands = 9 : i64, tpu.core_type = #tpu.core_type<sc_vector_subcore>, window_params = [{transform_indices = #map}, {transform_indices = #map1}, {transform_indices = #map1}, {transform_indices = #map}, {transform_indices = #map}, {transform_indices = #map2}]} {
    %mul3A = arith.constant 16 : i32
    %mul3A_0 = arith.muli %arg0, %mul3A : i32
    %add3A = arith.addi %mul3A_0, %arg1 : i32
    %mul3A_1 = arith.constant 10000 : i32
    %mul3A_2 = arith.muli %add3A, %mul3A_1 : i32
    %mul3A_3 = arith.constant 640 : i32
    %mul3A_4 = arith.muli %arg1, %mul3A_3 : i32
    %mul3A_5 = arith.constant 640 : i32
    %mul3A_6 = arith.muli %arg1, %mul3A_5 : i32
    "tpu.region"() ({
      %run_scoped3A = tpu.sem_alloc : memref<!tpu.dma_semaphore, #tpu.memory_space<semaphore_mem>>
      %dma_start3A = arith.constant 0 : i32
      %dma_start3A_17 = tpu.memref_slice %arg14[%mul3A_6, %dma_start3A] : memref<10240x128xf32, #tpu.memory_space<vmem_shared>> -> memref<640x128xf32, #tpu.memory_space<vmem_shared>>
      %dma_start3A_18 = arith.constant 0 : i32
      %dma_start3A_19 = tpu.memref_slice %arg6[%mul3A_4, %dma_start3A_18] : memref<10240x128xf32, #tpu.memory_space<hbm>> -> memref<640x128xf32, #tpu.memory_space<hbm>>
      tpu.enqueue_dma source(%dma_start3A_19 : memref<640x128xf32, #tpu.memory_space<hbm>>) target(%dma_start3A_17 : memref<640x128xf32, #tpu.memory_space<vmem_shared>>) target_semaphore(%run_scoped3A : memref<!tpu.dma_semaphore, #tpu.memory_space<semaphore_mem>>)
      %dma_wait3A = arith.constant 0 : i32
      %dma_wait3A_20 = tpu.memref_slice %arg14[%mul3A_6, %dma_wait3A] : memref<10240x128xf32, #tpu.memory_space<vmem_shared>> -> memref<640x128xf32, #tpu.memory_space<vmem_shared>>
      %dma_wait3A_21 = arith.constant 0 : i32
      %dma_wait3A_22 = tpu.memref_slice %arg6[%mul3A_4, %dma_wait3A_21] : memref<10240x128xf32, #tpu.memory_space<hbm>> -> memref<640x128xf32, #tpu.memory_space<hbm>>
      tpu.wait_dma2 semaphore(%run_scoped3A : memref<!tpu.dma_semaphore, #tpu.memory_space<semaphore_mem>>) src(%dma_wait3A_22 : memref<640x128xf32, #tpu.memory_space<hbm>>) dst(%dma_wait3A_20 : memref<640x128xf32, #tpu.memory_space<vmem_shared>>)
      tpu.yield
    }) : () -> ()
    %barrier3A = arith.constant 0 : index
    tpu.barrier barrier_id(%barrier3A)
    %iota3A = tpu.iota {dimensions = array<i32: 0>} : vector<16xi32>
    %scan3A = arith.constant 0 : i32
    %scan3A_7 = arith.constant 0 : i32
    %scan3A_8 = arith.constant 5 : i32
    %scan3A_9 = arith.addi %scan3A_7, %scan3A_8 : i32
    %scan3A_10 = arith.constant 1 : i32
    scf.for %scan3A_17 = %scan3A_7 to %scan3A_9 step %scan3A_10  : i32 {
      %mul3A_18 = arith.constant 2000 : i32
      %mul3A_19 = arith.muli %scan3A_17, %mul3A_18 : i32
      %add3A_20 = arith.addi %mul3A_2, %mul3A_19 : i32
      "tpu.region"() ({
        %run_scoped3A = tpu.sem_alloc : memref<!tpu.dma_semaphore, #tpu.memory_space<semaphore_mem>>
        %dma_start3A = tpu.memref_slice %arg3[%add3A_20] : memref<320000xi32, #tpu.memory_space<hbm>> -> memref<2000xi32, #tpu.memory_space<hbm>>
        %dma_start3A_27 = tpu.memref_slice %arg3[%add3A_20] : memref<320000xi32, #tpu.memory_space<hbm>> -> memref<2000xi32, #tpu.memory_space<hbm>>
        tpu.enqueue_dma source(%dma_start3A_27 : memref<2000xi32, #tpu.memory_space<hbm>>) target(%arg8 : memref<2000xi32, #tpu.memory_space<vmem>>) target_semaphore(%run_scoped3A : memref<!tpu.dma_semaphore, #tpu.memory_space<semaphore_mem>>)
        %dma_wait3A = tpu.memref_slice %arg3[%add3A_20] : memref<320000xi32, #tpu.memory_space<hbm>> -> memref<2000xi32, #tpu.memory_space<hbm>>
        %dma_wait3A_28 = tpu.memref_slice %arg3[%add3A_20] : memref<320000xi32, #tpu.memory_space<hbm>> -> memref<2000xi32, #tpu.memory_space<hbm>>
        tpu.wait_dma2 semaphore(%run_scoped3A : memref<!tpu.dma_semaphore, #tpu.memory_space<semaphore_mem>>) src(%dma_wait3A_28 : memref<2000xi32, #tpu.memory_space<hbm>>) dst(%arg8 : memref<2000xi32, #tpu.memory_space<vmem>>)
        tpu.yield
      }) : () -> ()
      "tpu.region"() ({
        %run_scoped3A = tpu.sem_alloc : memref<!tpu.dma_semaphore, #tpu.memory_space<semaphore_mem>>
        %dma_start3A = tpu.memref_slice %arg4[%add3A_20] : memref<320000xi32, #tpu.memory_space<hbm>> -> memref<2000xi32, #tpu.memory_space<hbm>>
        %dma_start3A_27 = tpu.memref_slice %arg4[%add3A_20] : memref<320000xi32, #tpu.memory_space<hbm>> -> memref<2000xi32, #tpu.memory_space<hbm>>
        tpu.enqueue_dma source(%dma_start3A_27 : memref<2000xi32, #tpu.memory_space<hbm>>) target(%arg9 : memref<2000xi32, #tpu.memory_space<vmem>>) target_semaphore(%run_scoped3A : memref<!tpu.dma_semaphore, #tpu.memory_space<semaphore_mem>>)
        %dma_wait3A = tpu.memref_slice %arg4[%add3A_20] : memref<320000xi32, #tpu.memory_space<hbm>> -> memref<2000xi32, #tpu.memory_space<hbm>>
        %dma_wait3A_28 = tpu.memref_slice %arg4[%add3A_20] : memref<320000xi32, #tpu.memory_space<hbm>> -> memref<2000xi32, #tpu.memory_space<hbm>>
        tpu.wait_dma2 semaphore(%run_scoped3A : memref<!tpu.dma_semaphore, #tpu.memory_space<semaphore_mem>>) src(%dma_wait3A_28 : memref<2000xi32, #tpu.memory_space<hbm>>) dst(%arg9 : memref<2000xi32, #tpu.memory_space<vmem>>)
        tpu.yield
      }) : () -> ()
      %scan3A_21 = arith.constant 0 : i32
      %scan3A_22 = arith.constant 0 : i32
      %scan3A_23 = arith.constant 25 : i32
      %scan3A_24 = arith.addi %scan3A_22, %scan3A_23 : i32
      %scan3A_25 = arith.constant 1 : i32
      scf.for %scan3A_27 = %scan3A_22 to %scan3A_24 step %scan3A_25  : i32 {
        %mul3A_28 = arith.constant 80 : i32
        %mul3A_29 = arith.muli %scan3A_27, %mul3A_28 : i32
        %add3A_30 = arith.addi %add3A_20, %mul3A_29 : i32
        %add3A_31 = arith.constant 0 : i32
        %add3A_32 = arith.addi %add3A_30, %add3A_31 : i32
        %add3A_33 = vector.broadcast %add3A_32 : i32 to vector<16xi32>
        %add3A_34 = arith.addi %iota3A, %add3A_33 : vector<16xi32>
        %swap3A = arith.constant 0 : index
        %swap3A_35 = tpu.vector_load %arg11[%swap3A] {strides = array<i32>} : memref<80xi32, #tpu.memory_space<vmem>>, vector<16xi32>,
        %swap3A_36 = vector.shape_cast %swap3A_35 : vector<16xi32> to vector<16xi32>
        %swap3A_37 = vector.shape_cast %add3A_34 : vector<16xi32> to vector<16xi32>
        tpu.vector_store %arg11[%swap3A], %swap3A_37 {strides = array<i32>} : memref<80xi32, #tpu.memory_space<vmem>>, vector<16xi32>,
        %mul3A_38 = arith.constant 80 : i32
        %mul3A_39 = arith.muli %scan3A_27, %mul3A_38 : i32
        %add3A_40 = arith.constant 0 : i32
        %add3A_41 = arith.addi %mul3A_39, %add3A_40 : i32
        %get3A = arith.index_cast %add3A_41 : i32 to index
        %get3A_42 = tpu.vector_load %arg9[%get3A] {strides = array<i32>} : memref<2000xi32, #tpu.memory_space<vmem>>, vector<16xi32>,
        %get3A_43 = vector.shape_cast %get3A_42 : vector<16xi32> to vector<16xi32>
        %swap3A_44 = arith.constant 0 : index
        %swap3A_45 = tpu.vector_load %arg10[%swap3A_44] {strides = array<i32>} : memref<80xi32, #tpu.memory_space<vmem>>, vector<16xi32>,
        %swap3A_46 = vector.shape_cast %swap3A_45 : vector<16xi32> to vector<16xi32>
        %swap3A_47 = vector.shape_cast %get3A_43 : vector<16xi32> to vector<16xi32>
        tpu.vector_store %arg10[%swap3A_44], %swap3A_47 {strides = array<i32>} : memref<80xi32, #tpu.memory_space<vmem>>, vector<16xi32>,
        %add3A_48 = arith.constant 16 : i32
        %add3A_49 = arith.addi %add3A_30, %add3A_48 : i32
        %add3A_50 = vector.broadcast %add3A_49 : i32 to vector<16xi32>
        %add3A_51 = arith.addi %iota3A, %add3A_50 : vector<16xi32>
        %swap3A_52 = arith.constant 16 : index
        %swap3A_53 = tpu.vector_load %arg11[%swap3A_52] {strides = array<i32>} : memref<80xi32, #tpu.memory_space<vmem>>, vector<16xi32>,
        %swap3A_54 = vector.shape_cast %swap3A_53 : vector<16xi32> to vector<16xi32>
        %swap3A_55 = vector.shape_cast %add3A_51 : vector<16xi32> to vector<16xi32>
        tpu.vector_store %arg11[%swap3A_52], %swap3A_55 {strides = array<i32>} : memref<80xi32, #tpu.memory_space<vmem>>, vector<16xi32>,
        %mul3A_56 = arith.constant 80 : i32
        %mul3A_57 = arith.muli %scan3A_27, %mul3A_56 : i32
        %add3A_58 = arith.constant 16 : i32
        %add3A_59 = arith.addi %mul3A_57, %add3A_58 : i32
        %get3A_60 = arith.index_cast %add3A_59 : i32 to index
        %get3A_61 = tpu.vector_load %arg9[%get3A_60] {strides = array<i32>} : memref<2000xi32, #tpu.memory_space<vmem>>, vector<16xi32>,
        %get3A_62 = vector.shape_cast %get3A_61 : vector<16xi32> to vector<16xi32>
        %swap3A_63 = arith.constant 16 : index
        %swap3A_64 = tpu.vector_load %arg10[%swap3A_63] {strides = array<i32>} : memref<80xi32, #tpu.memory_space<vmem>>, vector<16xi32>,
        %swap3A_65 = vector.shape_cast %swap3A_64 : vector<16xi32> to vector<16xi32>
        %swap3A_66 = vector.shape_cast %get3A_62 : vector<16xi32> to vector<16xi32>
        tpu.vector_store %arg10[%swap3A_63], %swap3A_66 {strides = array<i32>} : memref<80xi32, #tpu.memory_space<vmem>>, vector<16xi32>,
        %add3A_67 = arith.constant 32 : i32
        %add3A_68 = arith.addi %add3A_30, %add3A_67 : i32
        %add3A_69 = vector.broadcast %add3A_68 : i32 to vector<16xi32>
        %add3A_70 = arith.addi %iota3A, %add3A_69 : vector<16xi32>
        %swap3A_71 = arith.constant 32 : index
        %swap3A_72 = tpu.vector_load %arg11[%swap3A_71] {strides = array<i32>} : memref<80xi32, #tpu.memory_space<vmem>>, vector<16xi32>,
        %swap3A_73 = vector.shape_cast %swap3A_72 : vector<16xi32> to vector<16xi32>
        %swap3A_74 = vector.shape_cast %add3A_70 : vector<16xi32> to vector<16xi32>
        tpu.vector_store %arg11[%swap3A_71], %swap3A_74 {strides = array<i32>} : memref<80xi32, #tpu.memory_space<vmem>>, vector<16xi32>,
        %mul3A_75 = arith.constant 80 : i32
        %mul3A_76 = arith.muli %scan3A_27, %mul3A_75 : i32
        %add3A_77 = arith.constant 32 : i32
        %add3A_78 = arith.addi %mul3A_76, %add3A_77 : i32
        %get3A_79 = arith.index_cast %add3A_78 : i32 to index
        %get3A_80 = tpu.vector_load %arg9[%get3A_79] {strides = array<i32>} : memref<2000xi32, #tpu.memory_space<vmem>>, vector<16xi32>,
        %get3A_81 = vector.shape_cast %get3A_80 : vector<16xi32> to vector<16xi32>
        %swap3A_82 = arith.constant 32 : index
        %swap3A_83 = tpu.vector_load %arg10[%swap3A_82] {strides = array<i32>} : memref<80xi32, #tpu.memory_space<vmem>>, vector<16xi32>,
        %swap3A_84 = vector.shape_cast %swap3A_83 : vector<16xi32> to vector<16xi32>
        %swap3A_85 = vector.shape_cast %get3A_81 : vector<16xi32> to vector<16xi32>
        tpu.vector_store %arg10[%swap3A_82], %swap3A_85 {strides = array<i32>} : memref<80xi32, #tpu.memory_space<vmem>>, vector<16xi32>,
        %add3A_86 = arith.constant 48 : i32
        %add3A_87 = arith.addi %add3A_30, %add3A_86 : i32
        %add3A_88 = vector.broadcast %add3A_87 : i32 to vector<16xi32>
        %add3A_89 = arith.addi %iota3A, %add3A_88 : vector<16xi32>
        %swap3A_90 = arith.constant 48 : index
        %swap3A_91 = tpu.vector_load %arg11[%swap3A_90] {strides = array<i32>} : memref<80xi32, #tpu.memory_space<vmem>>, vector<16xi32>,
        %swap3A_92 = vector.shape_cast %swap3A_91 : vector<16xi32> to vector<16xi32>
        %swap3A_93 = vector.shape_cast %add3A_89 : vector<16xi32> to vector<16xi32>
        tpu.vector_store %arg11[%swap3A_90], %swap3A_93 {strides = array<i32>} : memref<80xi32, #tpu.memory_space<vmem>>, vector<16xi32>,
        %mul3A_94 = arith.constant 80 : i32
        %mul3A_95 = arith.muli %scan3A_27, %mul3A_94 : i32
        %add3A_96 = arith.constant 48 : i32
        %add3A_97 = arith.addi %mul3A_95, %add3A_96 : i32
        %get3A_98 = arith.index_cast %add3A_97 : i32 to index
        %get3A_99 = tpu.vector_load %arg9[%get3A_98] {strides = array<i32>} : memref<2000xi32, #tpu.memory_space<vmem>>, vector<16xi32>,
        %get3A_100 = vector.shape_cast %get3A_99 : vector<16xi32> to vector<16xi32>
        %swap3A_101 = arith.constant 48 : index
        %swap3A_102 = tpu.vector_load %arg10[%swap3A_101] {strides = array<i32>} : memref<80xi32, #tpu.memory_space<vmem>>, vector<16xi32>,
        %swap3A_103 = vector.shape_cast %swap3A_102 : vector<16xi32> to vector<16xi32>
        %swap3A_104 = vector.shape_cast %get3A_100 : vector<16xi32> to vector<16xi32>
        tpu.vector_store %arg10[%swap3A_101], %swap3A_104 {strides = array<i32>} : memref<80xi32, #tpu.memory_space<vmem>>, vector<16xi32>,
        %add3A_105 = arith.constant 64 : i32
        %add3A_106 = arith.addi %add3A_30, %add3A_105 : i32
        %add3A_107 = vector.broadcast %add3A_106 : i32 to vector<16xi32>
        %add3A_108 = arith.addi %iota3A, %add3A_107 : vector<16xi32>
        %swap3A_109 = arith.constant 64 : index
        %swap3A_110 = tpu.vector_load %arg11[%swap3A_109] {strides = array<i32>} : memref<80xi32, #tpu.memory_space<vmem>>, vector<16xi32>,
        %swap3A_111 = vector.shape_cast %swap3A_110 : vector<16xi32> to vector<16xi32>
        %swap3A_112 = vector.shape_cast %add3A_108 : vector<16xi32> to vector<16xi32>
        tpu.vector_store %arg11[%swap3A_109], %swap3A_112 {strides = array<i32>} : memref<80xi32, #tpu.memory_space<vmem>>, vector<16xi32>,
        %mul3A_113 = arith.constant 80 : i32
        %mul3A_114 = arith.muli %scan3A_27, %mul3A_113 : i32
        %add3A_115 = arith.constant 64 : i32
        %add3A_116 = arith.addi %mul3A_114, %add3A_115 : i32
        %get3A_117 = arith.index_cast %add3A_116 : i32 to index
        %get3A_118 = tpu.vector_load %arg9[%get3A_117] {strides = array<i32>} : memref<2000xi32, #tpu.memory_space<vmem>>, vector<16xi32>,
        %get3A_119 = vector.shape_cast %get3A_118 : vector<16xi32> to vector<16xi32>
        %swap3A_120 = arith.constant 64 : index
        %swap3A_121 = tpu.vector_load %arg10[%swap3A_120] {strides = array<i32>} : memref<80xi32, #tpu.memory_space<vmem>>, vector<16xi32>,
        %swap3A_122 = vector.shape_cast %swap3A_121 : vector<16xi32> to vector<16xi32>
        %swap3A_123 = vector.shape_cast %get3A_119 : vector<16xi32> to vector<16xi32>
        tpu.vector_store %arg10[%swap3A_120], %swap3A_123 {strides = array<i32>} : memref<80xi32, #tpu.memory_space<vmem>>, vector<16xi32>,
        %mul3A_124 = arith.constant 80 : i32
        %mul3A_125 = arith.muli %scan3A_27, %mul3A_124 : i32
        %dma_start3A = tpu.memref_slice %arg8[%mul3A_125] : memref<2000xi32, #tpu.memory_space<vmem>> -> memref<80xi32, #tpu.memory_space<vmem>>
        %dma_start3A_126 = arith.constant 0 : i32
        %dma_start3A_127 = arith.constant 0 : i32
        %dma_start3A_128 = tpu.memref_slice %arg2[%dma_start3A_126, %dma_start3A_127] : memref<10000x128xf32, #tpu.memory_space<hbm>> -> memref<10000x128xf32, #tpu.memory_space<hbm>>
        tpu.enqueue_indirect_dma source(%dma_start3A_128 : memref<10000x128xf32, #tpu.memory_space<hbm>>) target(%arg12 : memref<80x128xf32, #tpu.memory_space<vmem>>) offsets(%dma_start3A : memref<80xi32, #tpu.memory_space<vmem>>) semaphore(%arg15 : memref<!tpu.dma_semaphore, #tpu.memory_space<semaphore_mem>>)
        %dma_start3A_129 = arith.constant 0 : i32
        %dma_start3A_130 = arith.constant 0 : i32
        %dma_start3A_131 = tpu.memref_slice %arg5[%dma_start3A_129, %dma_start3A_130] : memref<320000x128xf32, #tpu.memory_space<hbm>> -> memref<320000x128xf32, #tpu.memory_space<hbm>>
        tpu.enqueue_indirect_dma source(%dma_start3A_131 : memref<320000x128xf32, #tpu.memory_space<hbm>>) target(%arg13 : memref<80x128xf32, #tpu.memory_space<vmem>>) offsets(%arg11 : memref<80xi32, #tpu.memory_space<vmem>>) semaphore(%arg16 : memref<!tpu.dma_semaphore, #tpu.memory_space<semaphore_mem>>)
        %dma_wait3A = tpu.memref_slice %arg8[%mul3A_125] : memref<2000xi32, #tpu.memory_space<vmem>> -> memref<80xi32, #tpu.memory_space<vmem>>
        %dma_wait3A_132 = arith.constant 0 : i32
        %dma_wait3A_133 = arith.constant 0 : i32
        %dma_wait3A_134 = tpu.memref_slice %arg2[%dma_wait3A_132, %dma_wait3A_133] : memref<10000x128xf32, #tpu.memory_space<hbm>> -> memref<10000x128xf32, #tpu.memory_space<hbm>>
        tpu.wait_indirect_dma semaphore(%arg15 : memref<!tpu.dma_semaphore, #tpu.memory_space<semaphore_mem>>) src(%dma_wait3A_134 : memref<10000x128xf32, #tpu.memory_space<hbm>>) dst(%arg12 : memref<80x128xf32, #tpu.memory_space<vmem>>)
        %dma_wait3A_135 = arith.constant 0 : i32
        %dma_wait3A_136 = arith.constant 0 : i32
        %dma_wait3A_137 = tpu.memref_slice %arg5[%dma_wait3A_135, %dma_wait3A_136] : memref<320000x128xf32, #tpu.memory_space<hbm>> -> memref<320000x128xf32, #tpu.memory_space<hbm>>
        tpu.wait_indirect_dma semaphore(%arg16 : memref<!tpu.dma_semaphore, #tpu.memory_space<semaphore_mem>>) src(%dma_wait3A_137 : memref<320000x128xf32, #tpu.memory_space<hbm>>) dst(%arg13 : memref<80x128xf32, #tpu.memory_space<vmem>>)
        %scan3A_138 = arith.constant 0 : i32
        %scan3A_139 = arith.constant 0 : i32
        %scan3A_140 = arith.constant 80 : i32
        %scan3A_141 = arith.addi %scan3A_139, %scan3A_140 : i32
        %scan3A_142 = arith.constant 1 : i32
        scf.for %scan3A_144 = %scan3A_139 to %scan3A_141 step %scan3A_142  : i32 {
          %get3A_145 = arith.index_cast %scan3A_144 : i32 to index
          %get3A_146 = arith.constant 0 : index
          %get3A_147 = tpu.vector_load %arg12[%get3A_145, %get3A_146] {strides = array<i32>} : memref<80x128xf32, #tpu.memory_space<vmem>>, vector<1x16xf32>,
          %get3A_148 = vector.shape_cast %get3A_147 : vector<1x16xf32> to vector<16xf32>
          %get3A_149 = arith.index_cast %scan3A_144 : i32 to index
          %get3A_150 = arith.constant 0 : index
          %get3A_151 = tpu.vector_load %arg13[%get3A_149, %get3A_150] {strides = array<i32>} : memref<80x128xf32, #tpu.memory_space<vmem>>, vector<1x16xf32>,
          %get3A_152 = vector.shape_cast %get3A_151 : vector<1x16xf32> to vector<16xf32>
          %add3A_153 = arith.addf %get3A_148, %get3A_152 : vector<16xf32>
          %max3A = arith.constant 0.000000e+00 : f32
          %max3A_154 = vector.broadcast %max3A : f32 to vector<16xf32>
          %max3A_155 = arith.maximumf %add3A_153, %max3A_154 : vector<16xf32>
          %swap3A_156 = arith.index_cast %scan3A_144 : i32 to index
          %swap3A_157 = arith.constant 0 : index
          %swap3A_158 = tpu.vector_load %arg12[%swap3A_156, %swap3A_157] {strides = array<i32>} : memref<80x128xf32, #tpu.memory_space<vmem>>, vector<1x16xf32>,
          %swap3A_159 = vector.shape_cast %swap3A_158 : vector<1x16xf32> to vector<16xf32>
          %swap3A_160 = vector.shape_cast %max3A_155 : vector<16xf32> to vector<1x16xf32>
          tpu.vector_store %arg12[%swap3A_156, %swap3A_157], %swap3A_160 {strides = array<i32>} : memref<80x128xf32, #tpu.memory_space<vmem>>, vector<1x16xf32>,
          %get3A_161 = arith.index_cast %scan3A_144 : i32 to index
          %get3A_162 = arith.constant 16 : index
          %get3A_163 = tpu.vector_load %arg12[%get3A_161, %get3A_162] {strides = array<i32>} : memref<80x128xf32, #tpu.memory_space<vmem>>, vector<1x16xf32>,
          %get3A_164 = vector.shape_cast %get3A_163 : vector<1x16xf32> to vector<16xf32>
          %get3A_165 = arith.index_cast %scan3A_144 : i32 to index
          %get3A_166 = arith.constant 16 : index
          %get3A_167 = tpu.vector_load %arg13[%get3A_165, %get3A_166] {strides = array<i32>} : memref<80x128xf32, #tpu.memory_space<vmem>>, vector<1x16xf32>,
          %get3A_168 = vector.shape_cast %get3A_167 : vector<1x16xf32> to vector<16xf32>
          %add3A_169 = arith.addf %get3A_164, %get3A_168 : vector<16xf32>
          %max3A_170 = arith.constant 0.000000e+00 : f32
          %max3A_171 = vector.broadcast %max3A_170 : f32 to vector<16xf32>
          %max3A_172 = arith.maximumf %add3A_169, %max3A_171 : vector<16xf32>
          %swap3A_173 = arith.index_cast %scan3A_144 : i32 to index
          %swap3A_174 = arith.constant 16 : index
          %swap3A_175 = tpu.vector_load %arg12[%swap3A_173, %swap3A_174] {strides = array<i32>} : memref<80x128xf32, #tpu.memory_space<vmem>>, vector<1x16xf32>,
          %swap3A_176 = vector.shape_cast %swap3A_175 : vector<1x16xf32> to vector<16xf32>
          %swap3A_177 = vector.shape_cast %max3A_172 : vector<16xf32> to vector<1x16xf32>
          tpu.vector_store %arg12[%swap3A_173, %swap3A_174], %swap3A_177 {strides = array<i32>} : memref<80x128xf32, #tpu.memory_space<vmem>>, vector<1x16xf32>,
          %get3A_178 = arith.index_cast %scan3A_144 : i32 to index
          %get3A_179 = arith.constant 32 : index
          %get3A_180 = tpu.vector_load %arg12[%get3A_178, %get3A_179] {strides = array<i32>} : memref<80x128xf32, #tpu.memory_space<vmem>>, vector<1x16xf32>,
          %get3A_181 = vector.shape_cast %get3A_180 : vector<1x16xf32> to vector<16xf32>
          %get3A_182 = arith.index_cast %scan3A_144 : i32 to index
          %get3A_183 = arith.constant 32 : index
          %get3A_184 = tpu.vector_load %arg13[%get3A_182, %get3A_183] {strides = array<i32>} : memref<80x128xf32, #tpu.memory_space<vmem>>, vector<1x16xf32>,
          %get3A_185 = vector.shape_cast %get3A_184 : vector<1x16xf32> to vector<16xf32>
          %add3A_186 = arith.addf %get3A_181, %get3A_185 : vector<16xf32>
          %max3A_187 = arith.constant 0.000000e+00 : f32
          %max3A_188 = vector.broadcast %max3A_187 : f32 to vector<16xf32>
          %max3A_189 = arith.maximumf %add3A_186, %max3A_188 : vector<16xf32>
          %swap3A_190 = arith.index_cast %scan3A_144 : i32 to index
          %swap3A_191 = arith.constant 32 : index
          %swap3A_192 = tpu.vector_load %arg12[%swap3A_190, %swap3A_191] {strides = array<i32>} : memref<80x128xf32, #tpu.memory_space<vmem>>, vector<1x16xf32>,
          %swap3A_193 = vector.shape_cast %swap3A_192 : vector<1x16xf32> to vector<16xf32>
          %swap3A_194 = vector.shape_cast %max3A_189 : vector<16xf32> to vector<1x16xf32>
          tpu.vector_store %arg12[%swap3A_190, %swap3A_191], %swap3A_194 {strides = array<i32>} : memref<80x128xf32, #tpu.memory_space<vmem>>, vector<1x16xf32>,
          %get3A_195 = arith.index_cast %scan3A_144 : i32 to index
          %get3A_196 = arith.constant 48 : index
          %get3A_197 = tpu.vector_load %arg12[%get3A_195, %get3A_196] {strides = array<i32>} : memref<80x128xf32, #tpu.memory_space<vmem>>, vector<1x16xf32>,
          %get3A_198 = vector.shape_cast %get3A_197 : vector<1x16xf32> to vector<16xf32>
          %get3A_199 = arith.index_cast %scan3A_144 : i32 to index
          %get3A_200 = arith.constant 48 : index
          %get3A_201 = tpu.vector_load %arg13[%get3A_199, %get3A_200] {strides = array<i32>} : memref<80x128xf32, #tpu.memory_space<vmem>>, vector<1x16xf32>,
          %get3A_202 = vector.shape_cast %get3A_201 : vector<1x16xf32> to vector<16xf32>
          %add3A_203 = arith.addf %get3A_198, %get3A_202 : vector<16xf32>
          %max3A_204 = arith.constant 0.000000e+00 : f32
          %max3A_205 = vector.broadcast %max3A_204 : f32 to vector<16xf32>
          %max3A_206 = arith.maximumf %add3A_203, %max3A_205 : vector<16xf32>
          %swap3A_207 = arith.index_cast %scan3A_144 : i32 to index
          %swap3A_208 = arith.constant 48 : index
          %swap3A_209 = tpu.vector_load %arg12[%swap3A_207, %swap3A_208] {strides = array<i32>} : memref<80x128xf32, #tpu.memory_space<vmem>>, vector<1x16xf32>,
          %swap3A_210 = vector.shape_cast %swap3A_209 : vector<1x16xf32> to vector<16xf32>
          %swap3A_211 = vector.shape_cast %max3A_206 : vector<16xf32> to vector<1x16xf32>
          tpu.vector_store %arg12[%swap3A_207, %swap3A_208], %swap3A_211 {strides = array<i32>} : memref<80x128xf32, #tpu.memory_space<vmem>>, vector<1x16xf32>,
          %get3A_212 = arith.index_cast %scan3A_144 : i32 to index
          %get3A_213 = arith.constant 64 : index
          %get3A_214 = tpu.vector_load %arg12[%get3A_212, %get3A_213] {strides = array<i32>} : memref<80x128xf32, #tpu.memory_space<vmem>>, vector<1x16xf32>,
          %get3A_215 = vector.shape_cast %get3A_214 : vector<1x16xf32> to vector<16xf32>
          %get3A_216 = arith.index_cast %scan3A_144 : i32 to index
          %get3A_217 = arith.constant 64 : index
          %get3A_218 = tpu.vector_load %arg13[%get3A_216, %get3A_217] {strides = array<i32>} : memref<80x128xf32, #tpu.memory_space<vmem>>, vector<1x16xf32>,
          %get3A_219 = vector.shape_cast %get3A_218 : vector<1x16xf32> to vector<16xf32>
          %add3A_220 = arith.addf %get3A_215, %get3A_219 : vector<16xf32>
          %max3A_221 = arith.constant 0.000000e+00 : f32
          %max3A_222 = vector.broadcast %max3A_221 : f32 to vector<16xf32>
          %max3A_223 = arith.maximumf %add3A_220, %max3A_222 : vector<16xf32>
          %swap3A_224 = arith.index_cast %scan3A_144 : i32 to index
          %swap3A_225 = arith.constant 64 : index
          %swap3A_226 = tpu.vector_load %arg12[%swap3A_224, %swap3A_225] {strides = array<i32>} : memref<80x128xf32, #tpu.memory_space<vmem>>, vector<1x16xf32>,
          %swap3A_227 = vector.shape_cast %swap3A_226 : vector<1x16xf32> to vector<16xf32>
          %swap3A_228 = vector.shape_cast %max3A_223 : vector<16xf32> to vector<1x16xf32>
          tpu.vector_store %arg12[%swap3A_224, %swap3A_225], %swap3A_228 {strides = array<i32>} : memref<80x128xf32, #tpu.memory_space<vmem>>, vector<1x16xf32>,
          %get3A_229 = arith.index_cast %scan3A_144 : i32 to index
          %get3A_230 = arith.constant 80 : index
          %get3A_231 = tpu.vector_load %arg12[%get3A_229, %get3A_230] {strides = array<i32>} : memref<80x128xf32, #tpu.memory_space<vmem>>, vector<1x16xf32>,
          %get3A_232 = vector.shape_cast %get3A_231 : vector<1x16xf32> to vector<16xf32>
          %get3A_233 = arith.index_cast %scan3A_144 : i32 to index
          %get3A_234 = arith.constant 80 : index
          %get3A_235 = tpu.vector_load %arg13[%get3A_233, %get3A_234] {strides = array<i32>} : memref<80x128xf32, #tpu.memory_space<vmem>>, vector<1x16xf32>,
          %get3A_236 = vector.shape_cast %get3A_235 : vector<1x16xf32> to vector<16xf32>
          %add3A_237 = arith.addf %get3A_232, %get3A_236 : vector<16xf32>
          %max3A_238 = arith.constant 0.000000e+00 : f32
          %max3A_239 = vector.broadcast %max3A_238 : f32 to vector<16xf32>
          %max3A_240 = arith.maximumf %add3A_237, %max3A_239 : vector<16xf32>
          %swap3A_241 = arith.index_cast %scan3A_144 : i32 to index
          %swap3A_242 = arith.constant 80 : index
          %swap3A_243 = tpu.vector_load %arg12[%swap3A_241, %swap3A_242] {strides = array<i32>} : memref<80x128xf32, #tpu.memory_space<vmem>>, vector<1x16xf32>,
          %swap3A_244 = vector.shape_cast %swap3A_243 : vector<1x16xf32> to vector<16xf32>
          %swap3A_245 = vector.shape_cast %max3A_240 : vector<16xf32> to vector<1x16xf32>
          tpu.vector_store %arg12[%swap3A_241, %swap3A_242], %swap3A_245 {strides = array<i32>} : memref<80x128xf32, #tpu.memory_space<vmem>>, vector<1x16xf32>,
          %get3A_246 = arith.index_cast %scan3A_144 : i32 to index
          %get3A_247 = arith.constant 96 : index
          %get3A_248 = tpu.vector_load %arg12[%get3A_246, %get3A_247] {strides = array<i32>} : memref<80x128xf32, #tpu.memory_space<vmem>>, vector<1x16xf32>,
          %get3A_249 = vector.shape_cast %get3A_248 : vector<1x16xf32> to vector<16xf32>
          %get3A_250 = arith.index_cast %scan3A_144 : i32 to index
          %get3A_251 = arith.constant 96 : index
          %get3A_252 = tpu.vector_load %arg13[%get3A_250, %get3A_251] {strides = array<i32>} : memref<80x128xf32, #tpu.memory_space<vmem>>, vector<1x16xf32>,
          %get3A_253 = vector.shape_cast %get3A_252 : vector<1x16xf32> to vector<16xf32>
          %add3A_254 = arith.addf %get3A_249, %get3A_253 : vector<16xf32>
          %max3A_255 = arith.constant 0.000000e+00 : f32
          %max3A_256 = vector.broadcast %max3A_255 : f32 to vector<16xf32>
          %max3A_257 = arith.maximumf %add3A_254, %max3A_256 : vector<16xf32>
          %swap3A_258 = arith.index_cast %scan3A_144 : i32 to index
          %swap3A_259 = arith.constant 96 : index
          %swap3A_260 = tpu.vector_load %arg12[%swap3A_258, %swap3A_259] {strides = array<i32>} : memref<80x128xf32, #tpu.memory_space<vmem>>, vector<1x16xf32>,
          %swap3A_261 = vector.shape_cast %swap3A_260 : vector<1x16xf32> to vector<16xf32>
          %swap3A_262 = vector.shape_cast %max3A_257 : vector<16xf32> to vector<1x16xf32>
          tpu.vector_store %arg12[%swap3A_258, %swap3A_259], %swap3A_262 {strides = array<i32>} : memref<80x128xf32, #tpu.memory_space<vmem>>, vector<1x16xf32>,
          %get3A_263 = arith.index_cast %scan3A_144 : i32 to index
          %get3A_264 = arith.constant 112 : index
          %get3A_265 = tpu.vector_load %arg12[%get3A_263, %get3A_264] {strides = array<i32>} : memref<80x128xf32, #tpu.memory_space<vmem>>, vector<1x16xf32>,
          %get3A_266 = vector.shape_cast %get3A_265 : vector<1x16xf32> to vector<16xf32>
          %get3A_267 = arith.index_cast %scan3A_144 : i32 to index
          %get3A_268 = arith.constant 112 : index
          %get3A_269 = tpu.vector_load %arg13[%get3A_267, %get3A_268] {strides = array<i32>} : memref<80x128xf32, #tpu.memory_space<vmem>>, vector<1x16xf32>,
          %get3A_270 = vector.shape_cast %get3A_269 : vector<1x16xf32> to vector<16xf32>
          %add3A_271 = arith.addf %get3A_266, %get3A_270 : vector<16xf32>
          %max3A_272 = arith.constant 0.000000e+00 : f32
          %max3A_273 = vector.broadcast %max3A_272 : f32 to vector<16xf32>
          %max3A_274 = arith.maximumf %add3A_271, %max3A_273 : vector<16xf32>
          %swap3A_275 = arith.index_cast %scan3A_144 : i32 to index
          %swap3A_276 = arith.constant 112 : index
          %swap3A_277 = tpu.vector_load %arg12[%swap3A_275, %swap3A_276] {strides = array<i32>} : memref<80x128xf32, #tpu.memory_space<vmem>>, vector<1x16xf32>,
          %swap3A_278 = vector.shape_cast %swap3A_277 : vector<1x16xf32> to vector<16xf32>
          %swap3A_279 = vector.shape_cast %max3A_274 : vector<16xf32> to vector<1x16xf32>
          tpu.vector_store %arg12[%swap3A_275, %swap3A_276], %swap3A_279 {strides = array<i32>} : memref<80x128xf32, #tpu.memory_space<vmem>>, vector<1x16xf32>,
        }
        %scan3A_143 = arith.constant 80 : i32
        "tpu.region"() ({
          %run_scoped3A = tpu.sem_alloc : memref<!tpu.dma_semaphore, #tpu.memory_space<semaphore_mem>>
          %dma_start3A_144 = arith.constant 0 : i32
          %dma_start3A_145 = arith.constant 0 : i32
          %dma_start3A_146 = tpu.memref_slice %arg14[%dma_start3A_144, %dma_start3A_145] : memref<10240x128xf32, #tpu.memory_space<vmem_shared>> -> memref<10240x128xf32, #tpu.memory_space<vmem_shared>>
          tpu.enqueue_indirect_dma source(%arg12 : memref<80x128xf32, #tpu.memory_space<vmem>>) target(%dma_start3A_146 : memref<10240x128xf32, #tpu.memory_space<vmem_shared>>) offsets(%arg10 : memref<80xi32, #tpu.memory_space<vmem>>) semaphore(%run_scoped3A : memref<!tpu.dma_semaphore, #tpu.memory_space<semaphore_mem>>) {add = true}
          %dma_wait3A_147 = arith.constant 0 : i32
          %dma_wait3A_148 = arith.constant 0 : i32
          %dma_wait3A_149 = tpu.memref_slice %arg14[%dma_wait3A_147, %dma_wait3A_148] : memref<10240x128xf32, #tpu.memory_space<vmem_shared>> -> memref<10240x128xf32, #tpu.memory_space<vmem_shared>>
          tpu.wait_indirect_dma semaphore(%run_scoped3A : memref<!tpu.dma_semaphore, #tpu.memory_space<semaphore_mem>>) src(%arg12 : memref<80x128xf32, #tpu.memory_space<vmem>>) dst(%dma_wait3A_149 : memref<10240x128xf32, #tpu.memory_space<vmem_shared>>)
          tpu.yield
        }) : () -> ()
      }
      %scan3A_26 = arith.constant 25 : i32
    }
    %scan3A_11 = arith.constant 5 : i32
    %barrier3A_12 = arith.constant 0 : index
    tpu.barrier barrier_id(%barrier3A_12)
    %mul3A_13 = arith.constant 640 : i32
    %mul3A_14 = arith.muli %arg1, %mul3A_13 : i32
    %mul3A_15 = arith.constant 640 : i32
    %mul3A_16 = arith.muli %arg1, %mul3A_15 : i32
    "tpu.region"() ({
      %run_scoped3A = tpu.sem_alloc : memref<!tpu.dma_semaphore, #tpu.memory_space<semaphore_mem>>
      %dma_start3A = arith.constant 0 : i32
      %dma_start3A_17 = arith.constant 0 : i32
      %dma_start3A_18 = tpu.memref_slice %arg7[%arg0, %dma_start3A, %dma_start3A_17] : memref<2x10240x128xf32, #tpu.memory_space<hbm>> -> memref<1x10240x128xf32, #tpu.memory_space<hbm>>
      %dma_start3A_19 = tpu.memref_squeeze %dma_start3A_18 : memref<1x10240x128xf32, #tpu.memory_space<hbm>> -> memref<10240x128xf32, #tpu.memory_space<hbm>>
      %dma_start3A_20 = arith.constant 0 : i32
      %dma_start3A_21 = tpu.memref_slice %dma_start3A_19[%mul3A_16, %dma_start3A_20] : memref<10240x128xf32, #tpu.memory_space<hbm>> -> memref<640x128xf32, #tpu.memory_space<hbm>>
      %dma_start3A_22 = arith.constant 0 : i32
      %dma_start3A_23 = tpu.memref_slice %arg14[%mul3A_14, %dma_start3A_22] : memref<10240x128xf32, #tpu.memory_space<vmem_shared>> -> memref<640x128xf32, #tpu.memory_space<vmem_shared>>
      tpu.enqueue_dma source(%dma_start3A_23 : memref<640x128xf32, #tpu.memory_space<vmem_shared>>) target(%dma_start3A_21 : memref<640x128xf32, #tpu.memory_space<hbm>>) target_semaphore(%run_scoped3A : memref<!tpu.dma_semaphore, #tpu.memory_space<semaphore_mem>>)
      %dma_wait3A = arith.constant 0 : i32
      %dma_wait3A_24 = arith.constant 0 : i32
      %dma_wait3A_25 = tpu.memref_slice %arg7[%arg0, %dma_wait3A, %dma_wait3A_24] : memref<2x10240x128xf32, #tpu.memory_space<hbm>> -> memref<1x10240x128xf32, #tpu.memory_space<hbm>>
      %dma_wait3A_26 = tpu.memref_squeeze %dma_wait3A_25 : memref<1x10240x128xf32, #tpu.memory_space<hbm>> -> memref<10240x128xf32, #tpu.memory_space<hbm>>
      %dma_wait3A_27 = arith.constant 0 : i32
      %dma_wait3A_28 = tpu.memref_slice %dma_wait3A_26[%mul3A_16, %dma_wait3A_27] : memref<10240x128xf32, #tpu.memory_space<hbm>> -> memref<640x128xf32, #tpu.memory_space<hbm>>
      %dma_wait3A_29 = arith.constant 0 : i32
      %dma_wait3A_30 = tpu.memref_slice %arg14[%mul3A_14, %dma_wait3A_29] : memref<10240x128xf32, #tpu.memory_space<vmem_shared>> -> memref<640x128xf32, #tpu.memory_space<vmem_shared>>
      tpu.wait_dma2 semaphore(%run_scoped3A : memref<!tpu.dma_semaphore, #tpu.memory_space<semaphore_mem>>) src(%dma_wait3A_30 : memref<640x128xf32, #tpu.memory_space<vmem_shared>>) dst(%dma_wait3A_28 : memref<640x128xf32, #tpu.memory_space<hbm>>)
      tpu.yield
    }) : () -> ()
    return
  }
}

#map = affine_map<(d0, d1) -> (0, 0)>
#map1 = affine_map<(d0, d1) -> (0)>
#map2 = affine_map<(d0, d1) -> (0, 0, 0)>
module attributes {stable_mosaic.version = 14 : i64} {
  func.func @_edge_body(%arg0: i32, %arg1: i32, %arg2: memref<10000x128xf32, #tpu.memory_space<hbm>>, %arg3: memref<320000xi32, #tpu.memory_space<hbm>>, %arg4: memref<320000xi32, #tpu.memory_space<hbm>>, %arg5: memref<320000x128xf32, #tpu.memory_space<hbm>>, %arg6: memref<10240x128xf32, #tpu.memory_space<hbm>>, %arg7: memref<2x10240x128xf32, #tpu.memory_space<hbm>>, %arg8: memref<2000xi32, #tpu.memory_space<vmem>>, %arg9: memref<2000xi32, #tpu.memory_space<vmem>>, %arg10: memref<80xi32, #tpu.memory_space<vmem>>, %arg11: memref<80xi32, #tpu.memory_space<vmem>>, %arg12: memref<80x128xf32, #tpu.memory_space<vmem>>, %arg13: memref<80x128xf32, #tpu.memory_space<vmem>>, %arg14: memref<10240x128xf32, #tpu.memory_space<vmem_shared>>, %arg15: memref<!tpu.dma_semaphore, #tpu.memory_space<semaphore_mem>>, %arg16: memref<!tpu.dma_semaphore, #tpu.memory_space<semaphore_mem>>) attributes {dimension_semantics = [#tpu.dimension_semantics<core_parallel>, #tpu.dimension_semantics<subcore_parallel>], iteration_bounds = array<i64: 2, 16>, scalar_prefetch = 0 : i64, scratch_operands = 9 : i64, tpu.core_type = #tpu.core_type<sc_vector_subcore>, window_params = [{transform_indices = #map}, {transform_indices = #map1}, {transform_indices = #map1}, {transform_indices = #map}, {transform_indices = #map}, {transform_indices = #map2}]} {
    %mul3A = arith.constant 16 : i32
    %mul3A_0 = arith.muli %arg0, %mul3A : i32
    %add3A = arith.addi %mul3A_0, %arg1 : i32
    %mul3A_1 = arith.constant 10000 : i32
    %mul3A_2 = arith.muli %add3A, %mul3A_1 : i32
    %mul3A_3 = arith.constant 640 : i32
    %mul3A_4 = arith.muli %arg1, %mul3A_3 : i32
    %mul3A_5 = arith.constant 640 : i32
    %mul3A_6 = arith.muli %arg1, %mul3A_5 : i32
    "tpu.region"() ({
      %run_scoped3A = tpu.sem_alloc : memref<!tpu.dma_semaphore, #tpu.memory_space<semaphore_mem>>
      %dma_start3A = arith.constant 0 : i32
      %dma_start3A_17 = tpu.memref_slice %arg14[%mul3A_6, %dma_start3A] : memref<10240x128xf32, #tpu.memory_space<vmem_shared>> -> memref<640x128xf32, #tpu.memory_space<vmem_shared>>
      %dma_start3A_18 = arith.constant 0 : i32
      %dma_start3A_19 = tpu.memref_slice %arg6[%mul3A_4, %dma_start3A_18] : memref<10240x128xf32, #tpu.memory_space<hbm>> -> memref<640x128xf32, #tpu.memory_space<hbm>>
      tpu.enqueue_dma source(%dma_start3A_19 : memref<640x128xf32, #tpu.memory_space<hbm>>) target(%dma_start3A_17 : memref<640x128xf32, #tpu.memory_space<vmem_shared>>) target_semaphore(%run_scoped3A : memref<!tpu.dma_semaphore, #tpu.memory_space<semaphore_mem>>)
      %dma_wait3A = arith.constant 0 : i32
      %dma_wait3A_20 = tpu.memref_slice %arg14[%mul3A_6, %dma_wait3A] : memref<10240x128xf32, #tpu.memory_space<vmem_shared>> -> memref<640x128xf32, #tpu.memory_space<vmem_shared>>
      %dma_wait3A_21 = arith.constant 0 : i32
      %dma_wait3A_22 = tpu.memref_slice %arg6[%mul3A_4, %dma_wait3A_21] : memref<10240x128xf32, #tpu.memory_space<hbm>> -> memref<640x128xf32, #tpu.memory_space<hbm>>
      tpu.wait_dma2 semaphore(%run_scoped3A : memref<!tpu.dma_semaphore, #tpu.memory_space<semaphore_mem>>) src(%dma_wait3A_22 : memref<640x128xf32, #tpu.memory_space<hbm>>) dst(%dma_wait3A_20 : memref<640x128xf32, #tpu.memory_space<vmem_shared>>)
      tpu.yield
    }) : () -> ()
    %barrier3A = arith.constant 0 : index
    tpu.barrier barrier_id(%barrier3A)
    %iota3A = tpu.iota {dimensions = array<i32: 0>} : vector<16xi32>
    %scan3A = arith.constant 0 : i32
    %scan3A_7 = arith.constant 0 : i32
    %scan3A_8 = arith.constant 5 : i32
    %scan3A_9 = arith.addi %scan3A_7, %scan3A_8 : i32
    %scan3A_10 = arith.constant 1 : i32
    scf.for %scan3A_17 = %scan3A_7 to %scan3A_9 step %scan3A_10  : i32 {
      %mul3A_18 = arith.constant 2000 : i32
      %mul3A_19 = arith.muli %scan3A_17, %mul3A_18 : i32
      %add3A_20 = arith.addi %mul3A_2, %mul3A_19 : i32
      "tpu.region"() ({
        %run_scoped3A = tpu.sem_alloc : memref<!tpu.dma_semaphore, #tpu.memory_space<semaphore_mem>>
        %dma_start3A = tpu.memref_slice %arg3[%add3A_20] : memref<320000xi32, #tpu.memory_space<hbm>> -> memref<2000xi32, #tpu.memory_space<hbm>>
        %dma_start3A_27 = tpu.memref_slice %arg3[%add3A_20] : memref<320000xi32, #tpu.memory_space<hbm>> -> memref<2000xi32, #tpu.memory_space<hbm>>
        tpu.enqueue_dma source(%dma_start3A_27 : memref<2000xi32, #tpu.memory_space<hbm>>) target(%arg8 : memref<2000xi32, #tpu.memory_space<vmem>>) target_semaphore(%run_scoped3A : memref<!tpu.dma_semaphore, #tpu.memory_space<semaphore_mem>>)
        %dma_wait3A = tpu.memref_slice %arg3[%add3A_20] : memref<320000xi32, #tpu.memory_space<hbm>> -> memref<2000xi32, #tpu.memory_space<hbm>>
        %dma_wait3A_28 = tpu.memref_slice %arg3[%add3A_20] : memref<320000xi32, #tpu.memory_space<hbm>> -> memref<2000xi32, #tpu.memory_space<hbm>>
        tpu.wait_dma2 semaphore(%run_scoped3A : memref<!tpu.dma_semaphore, #tpu.memory_space<semaphore_mem>>) src(%dma_wait3A_28 : memref<2000xi32, #tpu.memory_space<hbm>>) dst(%arg8 : memref<2000xi32, #tpu.memory_space<vmem>>)
        tpu.yield
      }) : () -> ()
      "tpu.region"() ({
        %run_scoped3A = tpu.sem_alloc : memref<!tpu.dma_semaphore, #tpu.memory_space<semaphore_mem>>
        %dma_start3A = tpu.memref_slice %arg4[%add3A_20] : memref<320000xi32, #tpu.memory_space<hbm>> -> memref<2000xi32, #tpu.memory_space<hbm>>
        %dma_start3A_27 = tpu.memref_slice %arg4[%add3A_20] : memref<320000xi32, #tpu.memory_space<hbm>> -> memref<2000xi32, #tpu.memory_space<hbm>>
        tpu.enqueue_dma source(%dma_start3A_27 : memref<2000xi32, #tpu.memory_space<hbm>>) target(%arg9 : memref<2000xi32, #tpu.memory_space<vmem>>) target_semaphore(%run_scoped3A : memref<!tpu.dma_semaphore, #tpu.memory_space<semaphore_mem>>)
        %dma_wait3A = tpu.memref_slice %arg4[%add3A_20] : memref<320000xi32, #tpu.memory_space<hbm>> -> memref<2000xi32, #tpu.memory_space<hbm>>
        %dma_wait3A_28 = tpu.memref_slice %arg4[%add3A_20] : memref<320000xi32, #tpu.memory_space<hbm>> -> memref<2000xi32, #tpu.memory_space<hbm>>
        tpu.wait_dma2 semaphore(%run_scoped3A : memref<!tpu.dma_semaphore, #tpu.memory_space<semaphore_mem>>) src(%dma_wait3A_28 : memref<2000xi32, #tpu.memory_space<hbm>>) dst(%arg9 : memref<2000xi32, #tpu.memory_space<vmem>>)
        tpu.yield
      }) : () -> ()
      %scan3A_21 = arith.constant 0 : i32
      %scan3A_22 = arith.constant 0 : i32
      %scan3A_23 = arith.constant 25 : i32
      %scan3A_24 = arith.addi %scan3A_22, %scan3A_23 : i32
      %scan3A_25 = arith.constant 1 : i32
      scf.for %scan3A_27 = %scan3A_22 to %scan3A_24 step %scan3A_25  : i32 {
        %mul3A_28 = arith.constant 80 : i32
        %mul3A_29 = arith.muli %scan3A_27, %mul3A_28 : i32
        %add3A_30 = arith.addi %add3A_20, %mul3A_29 : i32
        %add3A_31 = arith.constant 0 : i32
        %add3A_32 = arith.addi %add3A_30, %add3A_31 : i32
        %add3A_33 = vector.broadcast %add3A_32 : i32 to vector<16xi32>
        %add3A_34 = arith.addi %iota3A, %add3A_33 : vector<16xi32>
        %swap3A = arith.constant 0 : index
        %swap3A_35 = tpu.vector_load %arg11[%swap3A] {strides = array<i32>} : memref<80xi32, #tpu.memory_space<vmem>>, vector<16xi32>,
        %swap3A_36 = vector.shape_cast %swap3A_35 : vector<16xi32> to vector<16xi32>
        %swap3A_37 = vector.shape_cast %add3A_34 : vector<16xi32> to vector<16xi32>
        tpu.vector_store %arg11[%swap3A], %swap3A_37 {strides = array<i32>} : memref<80xi32, #tpu.memory_space<vmem>>, vector<16xi32>,
        %mul3A_38 = arith.constant 80 : i32
        %mul3A_39 = arith.muli %scan3A_27, %mul3A_38 : i32
        %add3A_40 = arith.constant 0 : i32
        %add3A_41 = arith.addi %mul3A_39, %add3A_40 : i32
        %get3A = arith.index_cast %add3A_41 : i32 to index
        %get3A_42 = tpu.vector_load %arg9[%get3A] {strides = array<i32>} : memref<2000xi32, #tpu.memory_space<vmem>>, vector<16xi32>,
        %get3A_43 = vector.shape_cast %get3A_42 : vector<16xi32> to vector<16xi32>
        %swap3A_44 = arith.constant 0 : index
        %swap3A_45 = tpu.vector_load %arg10[%swap3A_44] {strides = array<i32>} : memref<80xi32, #tpu.memory_space<vmem>>, vector<16xi32>,
        %swap3A_46 = vector.shape_cast %swap3A_45 : vector<16xi32> to vector<16xi32>
        %swap3A_47 = vector.shape_cast %get3A_43 : vector<16xi32> to vector<16xi32>
        tpu.vector_store %arg10[%swap3A_44], %swap3A_47 {strides = array<i32>} : memref<80xi32, #tpu.memory_space<vmem>>, vector<16xi32>,
        %add3A_48 = arith.constant 16 : i32
        %add3A_49 = arith.addi %add3A_30, %add3A_48 : i32
        %add3A_50 = vector.broadcast %add3A_49 : i32 to vector<16xi32>
        %add3A_51 = arith.addi %iota3A, %add3A_50 : vector<16xi32>
        %swap3A_52 = arith.constant 16 : index
        %swap3A_53 = tpu.vector_load %arg11[%swap3A_52] {strides = array<i32>} : memref<80xi32, #tpu.memory_space<vmem>>, vector<16xi32>,
        %swap3A_54 = vector.shape_cast %swap3A_53 : vector<16xi32> to vector<16xi32>
        %swap3A_55 = vector.shape_cast %add3A_51 : vector<16xi32> to vector<16xi32>
        tpu.vector_store %arg11[%swap3A_52], %swap3A_55 {strides = array<i32>} : memref<80xi32, #tpu.memory_space<vmem>>, vector<16xi32>,
        %mul3A_56 = arith.constant 80 : i32
        %mul3A_57 = arith.muli %scan3A_27, %mul3A_56 : i32
        %add3A_58 = arith.constant 16 : i32
        %add3A_59 = arith.addi %mul3A_57, %add3A_58 : i32
        %get3A_60 = arith.index_cast %add3A_59 : i32 to index
        %get3A_61 = tpu.vector_load %arg9[%get3A_60] {strides = array<i32>} : memref<2000xi32, #tpu.memory_space<vmem>>, vector<16xi32>,
        %get3A_62 = vector.shape_cast %get3A_61 : vector<16xi32> to vector<16xi32>
        %swap3A_63 = arith.constant 16 : index
        %swap3A_64 = tpu.vector_load %arg10[%swap3A_63] {strides = array<i32>} : memref<80xi32, #tpu.memory_space<vmem>>, vector<16xi32>,
        %swap3A_65 = vector.shape_cast %swap3A_64 : vector<16xi32> to vector<16xi32>
        %swap3A_66 = vector.shape_cast %get3A_62 : vector<16xi32> to vector<16xi32>
        tpu.vector_store %arg10[%swap3A_63], %swap3A_66 {strides = array<i32>} : memref<80xi32, #tpu.memory_space<vmem>>, vector<16xi32>,
        %add3A_67 = arith.constant 32 : i32
        %add3A_68 = arith.addi %add3A_30, %add3A_67 : i32
        %add3A_69 = vector.broadcast %add3A_68 : i32 to vector<16xi32>
        %add3A_70 = arith.addi %iota3A, %add3A_69 : vector<16xi32>
        %swap3A_71 = arith.constant 32 : index
        %swap3A_72 = tpu.vector_load %arg11[%swap3A_71] {strides = array<i32>} : memref<80xi32, #tpu.memory_space<vmem>>, vector<16xi32>,
        %swap3A_73 = vector.shape_cast %swap3A_72 : vector<16xi32> to vector<16xi32>
        %swap3A_74 = vector.shape_cast %add3A_70 : vector<16xi32> to vector<16xi32>
        tpu.vector_store %arg11[%swap3A_71], %swap3A_74 {strides = array<i32>} : memref<80xi32, #tpu.memory_space<vmem>>, vector<16xi32>,
        %mul3A_75 = arith.constant 80 : i32
        %mul3A_76 = arith.muli %scan3A_27, %mul3A_75 : i32
        %add3A_77 = arith.constant 32 : i32
        %add3A_78 = arith.addi %mul3A_76, %add3A_77 : i32
        %get3A_79 = arith.index_cast %add3A_78 : i32 to index
        %get3A_80 = tpu.vector_load %arg9[%get3A_79] {strides = array<i32>} : memref<2000xi32, #tpu.memory_space<vmem>>, vector<16xi32>,
        %get3A_81 = vector.shape_cast %get3A_80 : vector<16xi32> to vector<16xi32>
        %swap3A_82 = arith.constant 32 : index
        %swap3A_83 = tpu.vector_load %arg10[%swap3A_82] {strides = array<i32>} : memref<80xi32, #tpu.memory_space<vmem>>, vector<16xi32>,
        %swap3A_84 = vector.shape_cast %swap3A_83 : vector<16xi32> to vector<16xi32>
        %swap3A_85 = vector.shape_cast %get3A_81 : vector<16xi32> to vector<16xi32>
        tpu.vector_store %arg10[%swap3A_82], %swap3A_85 {strides = array<i32>} : memref<80xi32, #tpu.memory_space<vmem>>, vector<16xi32>,
        %add3A_86 = arith.constant 48 : i32
        %add3A_87 = arith.addi %add3A_30, %add3A_86 : i32
        %add3A_88 = vector.broadcast %add3A_87 : i32 to vector<16xi32>
        %add3A_89 = arith.addi %iota3A, %add3A_88 : vector<16xi32>
        %swap3A_90 = arith.constant 48 : index
        %swap3A_91 = tpu.vector_load %arg11[%swap3A_90] {strides = array<i32>} : memref<80xi32, #tpu.memory_space<vmem>>, vector<16xi32>,
        %swap3A_92 = vector.shape_cast %swap3A_91 : vector<16xi32> to vector<16xi32>
        %swap3A_93 = vector.shape_cast %add3A_89 : vector<16xi32> to vector<16xi32>
        tpu.vector_store %arg11[%swap3A_90], %swap3A_93 {strides = array<i32>} : memref<80xi32, #tpu.memory_space<vmem>>, vector<16xi32>,
        %mul3A_94 = arith.constant 80 : i32
        %mul3A_95 = arith.muli %scan3A_27, %mul3A_94 : i32
        %add3A_96 = arith.constant 48 : i32
        %add3A_97 = arith.addi %mul3A_95, %add3A_96 : i32
        %get3A_98 = arith.index_cast %add3A_97 : i32 to index
        %get3A_99 = tpu.vector_load %arg9[%get3A_98] {strides = array<i32>} : memref<2000xi32, #tpu.memory_space<vmem>>, vector<16xi32>,
        %get3A_100 = vector.shape_cast %get3A_99 : vector<16xi32> to vector<16xi32>
        %swap3A_101 = arith.constant 48 : index
        %swap3A_102 = tpu.vector_load %arg10[%swap3A_101] {strides = array<i32>} : memref<80xi32, #tpu.memory_space<vmem>>, vector<16xi32>,
        %swap3A_103 = vector.shape_cast %swap3A_102 : vector<16xi32> to vector<16xi32>
        %swap3A_104 = vector.shape_cast %get3A_100 : vector<16xi32> to vector<16xi32>
        tpu.vector_store %arg10[%swap3A_101], %swap3A_104 {strides = array<i32>} : memref<80xi32, #tpu.memory_space<vmem>>, vector<16xi32>,
        %add3A_105 = arith.constant 64 : i32
        %add3A_106 = arith.addi %add3A_30, %add3A_105 : i32
        %add3A_107 = vector.broadcast %add3A_106 : i32 to vector<16xi32>
        %add3A_108 = arith.addi %iota3A, %add3A_107 : vector<16xi32>
        %swap3A_109 = arith.constant 64 : index
        %swap3A_110 = tpu.vector_load %arg11[%swap3A_109] {strides = array<i32>} : memref<80xi32, #tpu.memory_space<vmem>>, vector<16xi32>,
        %swap3A_111 = vector.shape_cast %swap3A_110 : vector<16xi32> to vector<16xi32>
        %swap3A_112 = vector.shape_cast %add3A_108 : vector<16xi32> to vector<16xi32>
        tpu.vector_store %arg11[%swap3A_109], %swap3A_112 {strides = array<i32>} : memref<80xi32, #tpu.memory_space<vmem>>, vector<16xi32>,
        %mul3A_113 = arith.constant 80 : i32
        %mul3A_114 = arith.muli %scan3A_27, %mul3A_113 : i32
        %add3A_115 = arith.constant 64 : i32
        %add3A_116 = arith.addi %mul3A_114, %add3A_115 : i32
        %get3A_117 = arith.index_cast %add3A_116 : i32 to index
        %get3A_118 = tpu.vector_load %arg9[%get3A_117] {strides = array<i32>} : memref<2000xi32, #tpu.memory_space<vmem>>, vector<16xi32>,
        %get3A_119 = vector.shape_cast %get3A_118 : vector<16xi32> to vector<16xi32>
        %swap3A_120 = arith.constant 64 : index
        %swap3A_121 = tpu.vector_load %arg10[%swap3A_120] {strides = array<i32>} : memref<80xi32, #tpu.memory_space<vmem>>, vector<16xi32>,
        %swap3A_122 = vector.shape_cast %swap3A_121 : vector<16xi32> to vector<16xi32>
        %swap3A_123 = vector.shape_cast %get3A_119 : vector<16xi32> to vector<16xi32>
        tpu.vector_store %arg10[%swap3A_120], %swap3A_123 {strides = array<i32>} : memref<80xi32, #tpu.memory_space<vmem>>, vector<16xi32>,
        %mul3A_124 = arith.constant 80 : i32
        %mul3A_125 = arith.muli %scan3A_27, %mul3A_124 : i32
        %dma_start3A = tpu.memref_slice %arg8[%mul3A_125] : memref<2000xi32, #tpu.memory_space<vmem>> -> memref<80xi32, #tpu.memory_space<vmem>>
        %dma_start3A_126 = arith.constant 0 : i32
        %dma_start3A_127 = arith.constant 0 : i32
        %dma_start3A_128 = tpu.memref_slice %arg2[%dma_start3A_126, %dma_start3A_127] : memref<10000x128xf32, #tpu.memory_space<hbm>> -> memref<10000x128xf32, #tpu.memory_space<hbm>>
        tpu.enqueue_indirect_dma source(%dma_start3A_128 : memref<10000x128xf32, #tpu.memory_space<hbm>>) target(%arg12 : memref<80x128xf32, #tpu.memory_space<vmem>>) offsets(%dma_start3A : memref<80xi32, #tpu.memory_space<vmem>>) semaphore(%arg15 : memref<!tpu.dma_semaphore, #tpu.memory_space<semaphore_mem>>)
        %dma_start3A_129 = arith.constant 0 : i32
        %dma_start3A_130 = arith.constant 0 : i32
        %dma_start3A_131 = tpu.memref_slice %arg5[%dma_start3A_129, %dma_start3A_130] : memref<320000x128xf32, #tpu.memory_space<hbm>> -> memref<320000x128xf32, #tpu.memory_space<hbm>>
        tpu.enqueue_indirect_dma source(%dma_start3A_131 : memref<320000x128xf32, #tpu.memory_space<hbm>>) target(%arg13 : memref<80x128xf32, #tpu.memory_space<vmem>>) offsets(%arg11 : memref<80xi32, #tpu.memory_space<vmem>>) semaphore(%arg16 : memref<!tpu.dma_semaphore, #tpu.memory_space<semaphore_mem>>)
        %dma_wait3A = tpu.memref_slice %arg8[%mul3A_125] : memref<2000xi32, #tpu.memory_space<vmem>> -> memref<80xi32, #tpu.memory_space<vmem>>
        %dma_wait3A_132 = arith.constant 0 : i32
        %dma_wait3A_133 = arith.constant 0 : i32
        %dma_wait3A_134 = tpu.memref_slice %arg2[%dma_wait3A_132, %dma_wait3A_133] : memref<10000x128xf32, #tpu.memory_space<hbm>> -> memref<10000x128xf32, #tpu.memory_space<hbm>>
        tpu.wait_indirect_dma semaphore(%arg15 : memref<!tpu.dma_semaphore, #tpu.memory_space<semaphore_mem>>) src(%dma_wait3A_134 : memref<10000x128xf32, #tpu.memory_space<hbm>>) dst(%arg12 : memref<80x128xf32, #tpu.memory_space<vmem>>)
        %dma_wait3A_135 = arith.constant 0 : i32
        %dma_wait3A_136 = arith.constant 0 : i32
        %dma_wait3A_137 = tpu.memref_slice %arg5[%dma_wait3A_135, %dma_wait3A_136] : memref<320000x128xf32, #tpu.memory_space<hbm>> -> memref<320000x128xf32, #tpu.memory_space<hbm>>
        tpu.wait_indirect_dma semaphore(%arg16 : memref<!tpu.dma_semaphore, #tpu.memory_space<semaphore_mem>>) src(%dma_wait3A_137 : memref<320000x128xf32, #tpu.memory_space<hbm>>) dst(%arg13 : memref<80x128xf32, #tpu.memory_space<vmem>>)
        %scan3A_138 = arith.constant 0 : i32
        %scan3A_139 = arith.constant 0 : i32
        %scan3A_140 = arith.constant 80 : i32
        %scan3A_141 = arith.addi %scan3A_139, %scan3A_140 : i32
        %scan3A_142 = arith.constant 1 : i32
        scf.for %scan3A_144 = %scan3A_139 to %scan3A_141 step %scan3A_142  : i32 {
          %get3A_145 = arith.index_cast %scan3A_144 : i32 to index
          %get3A_146 = arith.constant 0 : index
          %get3A_147 = tpu.vector_load %arg12[%get3A_145, %get3A_146] {strides = array<i32>} : memref<80x128xf32, #tpu.memory_space<vmem>>, vector<1x16xf32>,
          %get3A_148 = vector.shape_cast %get3A_147 : vector<1x16xf32> to vector<16xf32>
          %get3A_149 = arith.index_cast %scan3A_144 : i32 to index
          %get3A_150 = arith.constant 0 : index
          %get3A_151 = tpu.vector_load %arg13[%get3A_149, %get3A_150] {strides = array<i32>} : memref<80x128xf32, #tpu.memory_space<vmem>>, vector<1x16xf32>,
          %get3A_152 = vector.shape_cast %get3A_151 : vector<1x16xf32> to vector<16xf32>
          %add3A_153 = arith.addf %get3A_148, %get3A_152 : vector<16xf32>
          %max3A = arith.constant 0.000000e+00 : f32
          %max3A_154 = vector.broadcast %max3A : f32 to vector<16xf32>
          %max3A_155 = arith.maximumf %add3A_153, %max3A_154 : vector<16xf32>
          %swap3A_156 = arith.index_cast %scan3A_144 : i32 to index
          %swap3A_157 = arith.constant 0 : index
          %swap3A_158 = tpu.vector_load %arg12[%swap3A_156, %swap3A_157] {strides = array<i32>} : memref<80x128xf32, #tpu.memory_space<vmem>>, vector<1x16xf32>,
          %swap3A_159 = vector.shape_cast %swap3A_158 : vector<1x16xf32> to vector<16xf32>
          %swap3A_160 = vector.shape_cast %max3A_155 : vector<16xf32> to vector<1x16xf32>
          tpu.vector_store %arg12[%swap3A_156, %swap3A_157], %swap3A_160 {strides = array<i32>} : memref<80x128xf32, #tpu.memory_space<vmem>>, vector<1x16xf32>,
          %get3A_161 = arith.index_cast %scan3A_144 : i32 to index
          %get3A_162 = arith.constant 16 : index
          %get3A_163 = tpu.vector_load %arg12[%get3A_161, %get3A_162] {strides = array<i32>} : memref<80x128xf32, #tpu.memory_space<vmem>>, vector<1x16xf32>,
          %get3A_164 = vector.shape_cast %get3A_163 : vector<1x16xf32> to vector<16xf32>
          %get3A_165 = arith.index_cast %scan3A_144 : i32 to index
          %get3A_166 = arith.constant 16 : index
          %get3A_167 = tpu.vector_load %arg13[%get3A_165, %get3A_166] {strides = array<i32>} : memref<80x128xf32, #tpu.memory_space<vmem>>, vector<1x16xf32>,
          %get3A_168 = vector.shape_cast %get3A_167 : vector<1x16xf32> to vector<16xf32>
          %add3A_169 = arith.addf %get3A_164, %get3A_168 : vector<16xf32>
          %max3A_170 = arith.constant 0.000000e+00 : f32
          %max3A_171 = vector.broadcast %max3A_170 : f32 to vector<16xf32>
          %max3A_172 = arith.maximumf %add3A_169, %max3A_171 : vector<16xf32>
          %swap3A_173 = arith.index_cast %scan3A_144 : i32 to index
          %swap3A_174 = arith.constant 16 : index
          %swap3A_175 = tpu.vector_load %arg12[%swap3A_173, %swap3A_174] {strides = array<i32>} : memref<80x128xf32, #tpu.memory_space<vmem>>, vector<1x16xf32>,
          %swap3A_176 = vector.shape_cast %swap3A_175 : vector<1x16xf32> to vector<16xf32>
          %swap3A_177 = vector.shape_cast %max3A_172 : vector<16xf32> to vector<1x16xf32>
          tpu.vector_store %arg12[%swap3A_173, %swap3A_174], %swap3A_177 {strides = array<i32>} : memref<80x128xf32, #tpu.memory_space<vmem>>, vector<1x16xf32>,
          %get3A_178 = arith.index_cast %scan3A_144 : i32 to index
          %get3A_179 = arith.constant 32 : index
          %get3A_180 = tpu.vector_load %arg12[%get3A_178, %get3A_179] {strides = array<i32>} : memref<80x128xf32, #tpu.memory_space<vmem>>, vector<1x16xf32>,
          %get3A_181 = vector.shape_cast %get3A_180 : vector<1x16xf32> to vector<16xf32>
          %get3A_182 = arith.index_cast %scan3A_144 : i32 to index
          %get3A_183 = arith.constant 32 : index
          %get3A_184 = tpu.vector_load %arg13[%get3A_182, %get3A_183] {strides = array<i32>} : memref<80x128xf32, #tpu.memory_space<vmem>>, vector<1x16xf32>,
          %get3A_185 = vector.shape_cast %get3A_184 : vector<1x16xf32> to vector<16xf32>
          %add3A_186 = arith.addf %get3A_181, %get3A_185 : vector<16xf32>
          %max3A_187 = arith.constant 0.000000e+00 : f32
          %max3A_188 = vector.broadcast %max3A_187 : f32 to vector<16xf32>
          %max3A_189 = arith.maximumf %add3A_186, %max3A_188 : vector<16xf32>
          %swap3A_190 = arith.index_cast %scan3A_144 : i32 to index
          %swap3A_191 = arith.constant 32 : index
          %swap3A_192 = tpu.vector_load %arg12[%swap3A_190, %swap3A_191] {strides = array<i32>} : memref<80x128xf32, #tpu.memory_space<vmem>>, vector<1x16xf32>,
          %swap3A_193 = vector.shape_cast %swap3A_192 : vector<1x16xf32> to vector<16xf32>
          %swap3A_194 = vector.shape_cast %max3A_189 : vector<16xf32> to vector<1x16xf32>
          tpu.vector_store %arg12[%swap3A_190, %swap3A_191], %swap3A_194 {strides = array<i32>} : memref<80x128xf32, #tpu.memory_space<vmem>>, vector<1x16xf32>,
          %get3A_195 = arith.index_cast %scan3A_144 : i32 to index
          %get3A_196 = arith.constant 48 : index
          %get3A_197 = tpu.vector_load %arg12[%get3A_195, %get3A_196] {strides = array<i32>} : memref<80x128xf32, #tpu.memory_space<vmem>>, vector<1x16xf32>,
          %get3A_198 = vector.shape_cast %get3A_197 : vector<1x16xf32> to vector<16xf32>
          %get3A_199 = arith.index_cast %scan3A_144 : i32 to index
          %get3A_200 = arith.constant 48 : index
          %get3A_201 = tpu.vector_load %arg13[%get3A_199, %get3A_200] {strides = array<i32>} : memref<80x128xf32, #tpu.memory_space<vmem>>, vector<1x16xf32>,
          %get3A_202 = vector.shape_cast %get3A_201 : vector<1x16xf32> to vector<16xf32>
          %add3A_203 = arith.addf %get3A_198, %get3A_202 : vector<16xf32>
          %max3A_204 = arith.constant 0.000000e+00 : f32
          %max3A_205 = vector.broadcast %max3A_204 : f32 to vector<16xf32>
          %max3A_206 = arith.maximumf %add3A_203, %max3A_205 : vector<16xf32>
          %swap3A_207 = arith.index_cast %scan3A_144 : i32 to index
          %swap3A_208 = arith.constant 48 : index
          %swap3A_209 = tpu.vector_load %arg12[%swap3A_207, %swap3A_208] {strides = array<i32>} : memref<80x128xf32, #tpu.memory_space<vmem>>, vector<1x16xf32>,
          %swap3A_210 = vector.shape_cast %swap3A_209 : vector<1x16xf32> to vector<16xf32>
          %swap3A_211 = vector.shape_cast %max3A_206 : vector<16xf32> to vector<1x16xf32>
          tpu.vector_store %arg12[%swap3A_207, %swap3A_208], %swap3A_211 {strides = array<i32>} : memref<80x128xf32, #tpu.memory_space<vmem>>, vector<1x16xf32>,
          %get3A_212 = arith.index_cast %scan3A_144 : i32 to index
          %get3A_213 = arith.constant 64 : index
          %get3A_214 = tpu.vector_load %arg12[%get3A_212, %get3A_213] {strides = array<i32>} : memref<80x128xf32, #tpu.memory_space<vmem>>, vector<1x16xf32>,
          %get3A_215 = vector.shape_cast %get3A_214 : vector<1x16xf32> to vector<16xf32>
          %get3A_216 = arith.index_cast %scan3A_144 : i32 to index
          %get3A_217 = arith.constant 64 : index
          %get3A_218 = tpu.vector_load %arg13[%get3A_216, %get3A_217] {strides = array<i32>} : memref<80x128xf32, #tpu.memory_space<vmem>>, vector<1x16xf32>,
          %get3A_219 = vector.shape_cast %get3A_218 : vector<1x16xf32> to vector<16xf32>
          %add3A_220 = arith.addf %get3A_215, %get3A_219 : vector<16xf32>
          %max3A_221 = arith.constant 0.000000e+00 : f32
          %max3A_222 = vector.broadcast %max3A_221 : f32 to vector<16xf32>
          %max3A_223 = arith.maximumf %add3A_220, %max3A_222 : vector<16xf32>
          %swap3A_224 = arith.index_cast %scan3A_144 : i32 to index
          %swap3A_225 = arith.constant 64 : index
          %swap3A_226 = tpu.vector_load %arg12[%swap3A_224, %swap3A_225] {strides = array<i32>} : memref<80x128xf32, #tpu.memory_space<vmem>>, vector<1x16xf32>,
          %swap3A_227 = vector.shape_cast %swap3A_226 : vector<1x16xf32> to vector<16xf32>
          %swap3A_228 = vector.shape_cast %max3A_223 : vector<16xf32> to vector<1x16xf32>
          tpu.vector_store %arg12[%swap3A_224, %swap3A_225], %swap3A_228 {strides = array<i32>} : memref<80x128xf32, #tpu.memory_space<vmem>>, vector<1x16xf32>,
          %get3A_229 = arith.index_cast %scan3A_144 : i32 to index
          %get3A_230 = arith.constant 80 : index
          %get3A_231 = tpu.vector_load %arg12[%get3A_229, %get3A_230] {strides = array<i32>} : memref<80x128xf32, #tpu.memory_space<vmem>>, vector<1x16xf32>,
          %get3A_232 = vector.shape_cast %get3A_231 : vector<1x16xf32> to vector<16xf32>
          %get3A_233 = arith.index_cast %scan3A_144 : i32 to index
          %get3A_234 = arith.constant 80 : index
          %get3A_235 = tpu.vector_load %arg13[%get3A_233, %get3A_234] {strides = array<i32>} : memref<80x128xf32, #tpu.memory_space<vmem>>, vector<1x16xf32>,
          %get3A_236 = vector.shape_cast %get3A_235 : vector<1x16xf32> to vector<16xf32>
          %add3A_237 = arith.addf %get3A_232, %get3A_236 : vector<16xf32>
          %max3A_238 = arith.constant 0.000000e+00 : f32
          %max3A_239 = vector.broadcast %max3A_238 : f32 to vector<16xf32>
          %max3A_240 = arith.maximumf %add3A_237, %max3A_239 : vector<16xf32>
          %swap3A_241 = arith.index_cast %scan3A_144 : i32 to index
          %swap3A_242 = arith.constant 80 : index
          %swap3A_243 = tpu.vector_load %arg12[%swap3A_241, %swap3A_242] {strides = array<i32>} : memref<80x128xf32, #tpu.memory_space<vmem>>, vector<1x16xf32>,
          %swap3A_244 = vector.shape_cast %swap3A_243 : vector<1x16xf32> to vector<16xf32>
          %swap3A_245 = vector.shape_cast %max3A_240 : vector<16xf32> to vector<1x16xf32>
          tpu.vector_store %arg12[%swap3A_241, %swap3A_242], %swap3A_245 {strides = array<i32>} : memref<80x128xf32, #tpu.memory_space<vmem>>, vector<1x16xf32>,
          %get3A_246 = arith.index_cast %scan3A_144 : i32 to index
          %get3A_247 = arith.constant 96 : index
          %get3A_248 = tpu.vector_load %arg12[%get3A_246, %get3A_247] {strides = array<i32>} : memref<80x128xf32, #tpu.memory_space<vmem>>, vector<1x16xf32>,
          %get3A_249 = vector.shape_cast %get3A_248 : vector<1x16xf32> to vector<16xf32>
          %get3A_250 = arith.index_cast %scan3A_144 : i32 to index
          %get3A_251 = arith.constant 96 : index
          %get3A_252 = tpu.vector_load %arg13[%get3A_250, %get3A_251] {strides = array<i32>} : memref<80x128xf32, #tpu.memory_space<vmem>>, vector<1x16xf32>,
          %get3A_253 = vector.shape_cast %get3A_252 : vector<1x16xf32> to vector<16xf32>
          %add3A_254 = arith.addf %get3A_249, %get3A_253 : vector<16xf32>
          %max3A_255 = arith.constant 0.000000e+00 : f32
          %max3A_256 = vector.broadcast %max3A_255 : f32 to vector<16xf32>
          %max3A_257 = arith.maximumf %add3A_254, %max3A_256 : vector<16xf32>
          %swap3A_258 = arith.index_cast %scan3A_144 : i32 to index
          %swap3A_259 = arith.constant 96 : index
          %swap3A_260 = tpu.vector_load %arg12[%swap3A_258, %swap3A_259] {strides = array<i32>} : memref<80x128xf32, #tpu.memory_space<vmem>>, vector<1x16xf32>,
          %swap3A_261 = vector.shape_cast %swap3A_260 : vector<1x16xf32> to vector<16xf32>
          %swap3A_262 = vector.shape_cast %max3A_257 : vector<16xf32> to vector<1x16xf32>
          tpu.vector_store %arg12[%swap3A_258, %swap3A_259], %swap3A_262 {strides = array<i32>} : memref<80x128xf32, #tpu.memory_space<vmem>>, vector<1x16xf32>,
          %get3A_263 = arith.index_cast %scan3A_144 : i32 to index
          %get3A_264 = arith.constant 112 : index
          %get3A_265 = tpu.vector_load %arg12[%get3A_263, %get3A_264] {strides = array<i32>} : memref<80x128xf32, #tpu.memory_space<vmem>>, vector<1x16xf32>,
          %get3A_266 = vector.shape_cast %get3A_265 : vector<1x16xf32> to vector<16xf32>
          %get3A_267 = arith.index_cast %scan3A_144 : i32 to index
          %get3A_268 = arith.constant 112 : index
          %get3A_269 = tpu.vector_load %arg13[%get3A_267, %get3A_268] {strides = array<i32>} : memref<80x128xf32, #tpu.memory_space<vmem>>, vector<1x16xf32>,
          %get3A_270 = vector.shape_cast %get3A_269 : vector<1x16xf32> to vector<16xf32>
          %add3A_271 = arith.addf %get3A_266, %get3A_270 : vector<16xf32>
          %max3A_272 = arith.constant 0.000000e+00 : f32
          %max3A_273 = vector.broadcast %max3A_272 : f32 to vector<16xf32>
          %max3A_274 = arith.maximumf %add3A_271, %max3A_273 : vector<16xf32>
          %swap3A_275 = arith.index_cast %scan3A_144 : i32 to index
          %swap3A_276 = arith.constant 112 : index
          %swap3A_277 = tpu.vector_load %arg12[%swap3A_275, %swap3A_276] {strides = array<i32>} : memref<80x128xf32, #tpu.memory_space<vmem>>, vector<1x16xf32>,
          %swap3A_278 = vector.shape_cast %swap3A_277 : vector<1x16xf32> to vector<16xf32>
          %swap3A_279 = vector.shape_cast %max3A_274 : vector<16xf32> to vector<1x16xf32>
          tpu.vector_store %arg12[%swap3A_275, %swap3A_276], %swap3A_279 {strides = array<i32>} : memref<80x128xf32, #tpu.memory_space<vmem>>, vector<1x16xf32>,
        }
        %scan3A_143 = arith.constant 80 : i32
        "tpu.region"() ({
          %run_scoped3A = tpu.sem_alloc : memref<!tpu.dma_semaphore, #tpu.memory_space<semaphore_mem>>
          %dma_start3A_144 = arith.constant 0 : i32
          %dma_start3A_145 = arith.constant 0 : i32
          %dma_start3A_146 = tpu.memref_slice %arg14[%dma_start3A_144, %dma_start3A_145] : memref<10240x128xf32, #tpu.memory_space<vmem_shared>> -> memref<10240x128xf32, #tpu.memory_space<vmem_shared>>
          tpu.enqueue_indirect_dma source(%arg12 : memref<80x128xf32, #tpu.memory_space<vmem>>) target(%dma_start3A_146 : memref<10240x128xf32, #tpu.memory_space<vmem_shared>>) offsets(%arg10 : memref<80xi32, #tpu.memory_space<vmem>>) semaphore(%run_scoped3A : memref<!tpu.dma_semaphore, #tpu.memory_space<semaphore_mem>>) {add = true}
          %dma_wait3A_147 = arith.constant 0 : i32
          %dma_wait3A_148 = arith.constant 0 : i32
          %dma_wait3A_149 = tpu.memref_slice %arg14[%dma_wait3A_147, %dma_wait3A_148] : memref<10240x128xf32, #tpu.memory_space<vmem_shared>> -> memref<10240x128xf32, #tpu.memory_space<vmem_shared>>
          tpu.wait_indirect_dma semaphore(%run_scoped3A : memref<!tpu.dma_semaphore, #tpu.memory_space<semaphore_mem>>) src(%arg12 : memref<80x128xf32, #tpu.memory_space<vmem>>) dst(%dma_wait3A_149 : memref<10240x128xf32, #tpu.memory_space<vmem_shared>>)
          tpu.yield
        }) : () -> ()
      }
      %scan3A_26 = arith.constant 25 : i32
    }
    %scan3A_11 = arith.constant 5 : i32
    %barrier3A_12 = arith.constant 0 : index
    tpu.barrier barrier_id(%barrier3A_12)
    %mul3A_13 = arith.constant 640 : i32
    %mul3A_14 = arith.muli %arg1, %mul3A_13 : i32
    %mul3A_15 = arith.constant 640 : i32
    %mul3A_16 = arith.muli %arg1, %mul3A_15 : i32
    "tpu.region"() ({
      %run_scoped3A = tpu.sem_alloc : memref<!tpu.dma_semaphore, #tpu.memory_space<semaphore_mem>>
      %dma_start3A = arith.constant 0 : i32
      %dma_start3A_17 = arith.constant 0 : i32
      %dma_start3A_18 = tpu.memref_slice %arg7[%arg0, %dma_start3A, %dma_start3A_17] : memref<2x10240x128xf32, #tpu.memory_space<hbm>> -> memref<1x10240x128xf32, #tpu.memory_space<hbm>>
      %dma_start3A_19 = tpu.memref_squeeze %dma_start3A_18 : memref<1x10240x128xf32, #tpu.memory_space<hbm>> -> memref<10240x128xf32, #tpu.memory_space<hbm>>
      %dma_start3A_20 = arith.constant 0 : i32
      %dma_start3A_21 = tpu.memref_slice %dma_start3A_19[%mul3A_16, %dma_start3A_20] : memref<10240x128xf32, #tpu.memory_space<hbm>> -> memref<640x128xf32, #tpu.memory_space<hbm>>
      %dma_start3A_22 = arith.constant 0 : i32
      %dma_start3A_23 = tpu.memref_slice %arg14[%mul3A_14, %dma_start3A_22] : memref<10240x128xf32, #tpu.memory_space<vmem_shared>> -> memref<640x128xf32, #tpu.memory_space<vmem_shared>>
      tpu.enqueue_dma source(%dma_start3A_23 : memref<640x128xf32, #tpu.memory_space<vmem_shared>>) target(%dma_start3A_21 : memref<640x128xf32, #tpu.memory_space<hbm>>) target_semaphore(%run_scoped3A : memref<!tpu.dma_semaphore, #tpu.memory_space<semaphore_mem>>)
      %dma_wait3A = arith.constant 0 : i32
      %dma_wait3A_24 = arith.constant 0 : i32
      %dma_wait3A_25 = tpu.memref_slice %arg7[%arg0, %dma_wait3A, %dma_wait3A_24] : memref<2x10240x128xf32, #tpu.memory_space<hbm>> -> memref<1x10240x128xf32, #tpu.memory_space<hbm>>
      %dma_wait3A_26 = tpu.memref_squeeze %dma_wait3A_25 : memref<1x10240x128xf32, #tpu.memory_space<hbm>> -> memref<10240x128xf32, #tpu.memory_space<hbm>>
      %dma_wait3A_27 = arith.constant 0 : i32
      %dma_wait3A_28 = tpu.memref_slice %dma_wait3A_26[%mul3A_16, %dma_wait3A_27] : memref<10240x128xf32, #tpu.memory_space<hbm>> -> memref<640x128xf32, #tpu.memory_space<hbm>>
      %dma_wait3A_29 = arith.constant 0 : i32
      %dma_wait3A_30 = tpu.memref_slice %arg14[%mul3A_14, %dma_wait3A_29] : memref<10240x128xf32, #tpu.memory_space<vmem_shared>> -> memref<640x128xf32, #tpu.memory_space<vmem_shared>>
      tpu.wait_dma2 semaphore(%run_scoped3A : memref<!tpu.dma_semaphore, #tpu.memory_space<semaphore_mem>>) src(%dma_wait3A_30 : memref<640x128xf32, #tpu.memory_space<vmem_shared>>) dst(%dma_wait3A_28 : memref<640x128xf32, #tpu.memory_space<hbm>>)
      tpu.yield
    }) : () -> ()
    return
  }
}

module attributes {stable_mosaic.version = 14 : i64} {
  func.func @_dense0_body(%arg0: memref<10000x128xf32, #tpu.memory_space<vmem>>, %arg1: memref<2x10240x128xf32, #tpu.memory_space<vmem>>, %arg2: memref<10000x1xi32, #tpu.memory_space<vmem>>, %arg3: memref<1x1xf32, #tpu.memory_space<vmem>>, %arg4: memref<128x256xf32, #tpu.memory_space<vmem>>, %arg5: memref<1x256xf32, #tpu.memory_space<vmem>>, %arg6: memref<1x256xf32, #tpu.memory_space<vmem>>, %arg7: memref<1x256xf32, #tpu.memory_space<vmem>>, %arg8: memref<256x128xf32, #tpu.memory_space<vmem>>, %arg9: memref<1x128xf32, #tpu.memory_space<vmem>>, %arg10: memref<1x128xf32, #tpu.memory_space<vmem>>, %arg11: memref<1x128xf32, #tpu.memory_space<vmem>>, %arg12: memref<128x256xf32, #tpu.memory_space<vmem>>, %arg13: memref<1x256xf32, #tpu.memory_space<vmem>>, %arg14: memref<1x256xf32, #tpu.memory_space<vmem>>, %arg15: memref<1x256xf32, #tpu.memory_space<vmem>>, %arg16: memref<256x128xf32, #tpu.memory_space<vmem>>, %arg17: memref<1x128xf32, #tpu.memory_space<vmem>>, %arg18: memref<1x128xf32, #tpu.memory_space<vmem>>, %arg19: memref<1x128xf32, #tpu.memory_space<vmem>>, %arg20: memref<10000x128xf32, #tpu.memory_space<vmem>>) attributes {dimension_semantics = [], scalar_prefetch = 0 : i64, scratch_operands = 0 : i64, tpu.core_type = #tpu.core_type<tc>} {
    %get3A = arith.constant 0 : index
    %get3A_0 = arith.constant 0 : index
    %get3A_1 = vector.load %arg0[%get3A, %get3A_0] : memref<10000x128xf32, #tpu.memory_space<vmem>>, vector<10000x128xf32>
    %get3A_2 = arith.constant 0 : index
    %get3A_3 = arith.constant 0 : index
    %get3A_4 = vector.load %arg3[%get3A_2, %get3A_3] : memref<1x1xf32, #tpu.memory_space<vmem>>, vector<1x1xf32>
    %get3A_5 = vector.extract %get3A_4[0, 0] : f32 from vector<1x1xf32>
    %add3A = arith.constant 1.000000e+00 : f32
    %add3A_6 = arith.addf %add3A, %get3A_5 : f32
    %mul3A = vector.broadcast %add3A_6 : f32 to vector<10000x128xf32>
    %mul3A_7 = arith.mulf %mul3A, %get3A_1 : vector<10000x128xf32>
    %get3A_8 = arith.constant 0 : index
    %get3A_9 = arith.constant 0 : index
    %get3A_10 = arith.constant 0 : index
    %get3A_11 = vector.load %arg1[%get3A_8, %get3A_9, %get3A_10] : memref<2x10240x128xf32, #tpu.memory_space<vmem>>, vector<1x10000x128xf32>
    %get3A_12 = vector.shape_cast %get3A_11 : vector<1x10000x128xf32> to vector<10000x128xf32>
    %add3A_13 = arith.addf %mul3A_7, %get3A_12 : vector<10000x128xf32>
    %get3A_14 = arith.constant 1 : index
    %get3A_15 = arith.constant 0 : index
    %get3A_16 = arith.constant 0 : index
    %get3A_17 = vector.load %arg1[%get3A_14, %get3A_15, %get3A_16] : memref<2x10240x128xf32, #tpu.memory_space<vmem>>, vector<1x10000x128xf32>
    %get3A_18 = vector.shape_cast %get3A_17 : vector<1x10000x128xf32> to vector<10000x128xf32>
    %add3A_19 = arith.addf %add3A_13, %get3A_18 : vector<10000x128xf32>
    %get3A_20 = arith.constant 0 : index
    %get3A_21 = arith.constant 0 : index
    %get3A_22 = vector.load %arg4[%get3A_20, %get3A_21] : memref<128x256xf32, #tpu.memory_space<vmem>>, vector<128x256xf32>
    %dot_general3A = arith.constant dense<0.000000e+00> : vector<10000x256xf32>
    %dot_general3A_23 = tpu.matmul %add3A_19, %get3A_22, %dot_general3A {dimension_numbers = #tpu.dot_dimension_numbers<[1], [0], [0], [1], [0, 0, 1, 1], [], []>, transpose_lhs_hint = false} : vector<10000x128xf32>, vector<128x256xf32>, vector<10000x256xf32> -> vector<10000x256xf32>
    %get3A_24 = arith.constant 0 : index
    %get3A_25 = arith.constant 0 : index
    %get3A_26 = vector.load %arg5[%get3A_24, %get3A_25] : memref<1x256xf32, #tpu.memory_space<vmem>>, vector<1x256xf32>
    %add3A_27 = vector.broadcast %get3A_26 : vector<1x256xf32> to vector<10000x256xf32>
    %add3A_28 = arith.addf %dot_general3A_23, %add3A_27 : vector<10000x256xf32>
    %get3A_29 = arith.constant 0 : index
    %get3A_30 = arith.constant 0 : index
    %get3A_31 = vector.load %arg6[%get3A_29, %get3A_30] : memref<1x256xf32, #tpu.memory_space<vmem>>, vector<1x256xf32>
    %get3A_32 = arith.constant 0 : index
    %get3A_33 = arith.constant 0 : index
    %get3A_34 = vector.load %arg7[%get3A_32, %get3A_33] : memref<1x256xf32, #tpu.memory_space<vmem>>, vector<1x256xf32>
    %reduce_sum3A = arith.constant dense<0.000000e+00> : vector<256xf32>
    %reduce_sum3A_35 = vector.multi_reduction <add>, %add3A_28, %reduce_sum3A [0] : vector<10000x256xf32> to vector<256xf32>
    %broadcast_in_dim3A = vector.shape_cast %reduce_sum3A_35 : vector<256xf32> to vector<1x256xf32>
    %div3A = arith.constant 1.000000e+04 : f32
    %div3A_36 = vector.broadcast %div3A : f32 to vector<1x256xf32>
    %div3A_37 = arith.divf %broadcast_in_dim3A, %div3A_36 : vector<1x256xf32>
    %jit3A = arith.constant 0 : i32
    %reduce_sum3A_38 = arith.constant dense<0.000000e+00> : vector<256xf32>
    %reduce_sum3A_39 = vector.multi_reduction <add>, %add3A_28, %reduce_sum3A_38 [0] : vector<10000x256xf32> to vector<256xf32>
    %broadcast_in_dim3A_40 = vector.shape_cast %reduce_sum3A_39 : vector<256xf32> to vector<1x256xf32>
    %div3A_41 = arith.constant 1.000000e+04 : f32
    %div3A_42 = vector.broadcast %div3A_41 : f32 to vector<1x256xf32>
    %div3A_43 = arith.divf %broadcast_in_dim3A_40, %div3A_42 : vector<1x256xf32>
    %sub3A = vector.broadcast %div3A_43 : vector<1x256xf32> to vector<10000x256xf32>
    %sub3A_44 = arith.subf %add3A_28, %sub3A : vector<10000x256xf32>
    %square3A = arith.mulf %sub3A_44, %sub3A_44 : vector<10000x256xf32>
    %convert_element_type3A = arith.sitofp %jit3A : i32 to f32
    %sub3A_45 = arith.constant 1.000000e+04 : f32
    %sub3A_46 = arith.subf %sub3A_45, %convert_element_type3A : f32
    %reduce_sum3A_47 = arith.constant dense<0.000000e+00> : vector<256xf32>
    %reduce_sum3A_48 = vector.multi_reduction <add>, %square3A, %reduce_sum3A_47 [0] : vector<10000x256xf32> to vector<256xf32>
    %broadcast_in_dim3A_49 = vector.shape_cast %reduce_sum3A_48 : vector<256xf32> to vector<1x256xf32>
    %div3A_50 = vector.broadcast %sub3A_46 : f32 to vector<1x256xf32>
    %div3A_51 = arith.divf %broadcast_in_dim3A_49, %div3A_50 : vector<1x256xf32>
    %gt3A = arith.constant 0.000000e+00 : f32
    %gt3A_52 = arith.cmpf ogt, %sub3A_46, %gt3A : f32
    %jit3A_53 = arith.constant 0x7FC00000 : f32
    %broadcast_in_dim3A_54 = vector.broadcast %jit3A_53 : f32 to vector<1x256xf32>
    %select_n3A = arith.select %gt3A_52, %div3A_51, %broadcast_in_dim3A_54 : vector<1x256xf32>
    %sub3A_55 = vector.broadcast %div3A_37 : vector<1x256xf32> to vector<10000x256xf32>
    %sub3A_56 = arith.subf %add3A_28, %sub3A_55 : vector<10000x256xf32>
    %add3A_57 = arith.constant 9.99999974E-6 : f32
    %add3A_58 = vector.broadcast %add3A_57 : f32 to vector<1x256xf32>
    %add3A_59 = arith.addf %select_n3A, %add3A_58 : vector<1x256xf32>
    %sqrt3A = math.sqrt %add3A_59 : vector<1x256xf32>
    %div3A_60 = vector.broadcast %sqrt3A : vector<1x256xf32> to vector<10000x256xf32>
    %div3A_61 = arith.divf %sub3A_56, %div3A_60 : vector<10000x256xf32>
    %mul3A_62 = vector.broadcast %get3A_31 : vector<1x256xf32> to vector<10000x256xf32>
    %mul3A_63 = arith.mulf %div3A_61, %mul3A_62 : vector<10000x256xf32>
    %add3A_64 = vector.broadcast %get3A_34 : vector<1x256xf32> to vector<10000x256xf32>
    %add3A_65 = arith.addf %mul3A_63, %add3A_64 : vector<10000x256xf32>
    %max3A = arith.constant 0.000000e+00 : f32
    %max3A_66 = vector.broadcast %max3A : f32 to vector<10000x256xf32>
    %max3A_67 = arith.maximumf %add3A_65, %max3A_66 : vector<10000x256xf32>
    %get3A_68 = arith.constant 0 : index
    %get3A_69 = arith.constant 0 : index
    %get3A_70 = vector.load %arg8[%get3A_68, %get3A_69] : memref<256x128xf32, #tpu.memory_space<vmem>>, vector<256x128xf32>
    %dot_general3A_71 = arith.constant dense<0.000000e+00> : vector<10000x128xf32>
    %dot_general3A_72 = tpu.matmul %max3A_67, %get3A_70, %dot_general3A_71 {dimension_numbers = #tpu.dot_dimension_numbers<[1], [0], [0], [1], [0, 0, 1, 1], [], []>, transpose_lhs_hint = false} : vector<10000x256xf32>, vector<256x128xf32>, vector<10000x128xf32> -> vector<10000x128xf32>
    %get3A_73 = arith.constant 0 : index
    %get3A_74 = arith.constant 0 : index
    %get3A_75 = vector.load %arg9[%get3A_73, %get3A_74] : memref<1x128xf32, #tpu.memory_space<vmem>>, vector<1x128xf32>
    %add3A_76 = vector.broadcast %get3A_75 : vector<1x128xf32> to vector<10000x128xf32>
    %add3A_77 = arith.addf %dot_general3A_72, %add3A_76 : vector<10000x128xf32>
    %get3A_78 = arith.constant 0 : index
    %get3A_79 = arith.constant 0 : index
    %get3A_80 = vector.load %arg10[%get3A_78, %get3A_79] : memref<1x128xf32, #tpu.memory_space<vmem>>, vector<1x128xf32>
    %get3A_81 = arith.constant 0 : index
    %get3A_82 = arith.constant 0 : index
    %get3A_83 = vector.load %arg11[%get3A_81, %get3A_82] : memref<1x128xf32, #tpu.memory_space<vmem>>, vector<1x128xf32>
    %reduce_sum3A_84 = arith.constant dense<0.000000e+00> : vector<128xf32>
    %reduce_sum3A_85 = vector.multi_reduction <add>, %add3A_77, %reduce_sum3A_84 [0] : vector<10000x128xf32> to vector<128xf32>
    %broadcast_in_dim3A_86 = vector.shape_cast %reduce_sum3A_85 : vector<128xf32> to vector<1x128xf32>
    %div3A_87 = arith.constant 1.000000e+04 : f32
    %div3A_88 = vector.broadcast %div3A_87 : f32 to vector<1x128xf32>
    %div3A_89 = arith.divf %broadcast_in_dim3A_86, %div3A_88 : vector<1x128xf32>
    %jit3A_90 = arith.constant 0 : i32
    %reduce_sum3A_91 = arith.constant dense<0.000000e+00> : vector<128xf32>
    %reduce_sum3A_92 = vector.multi_reduction <add>, %add3A_77, %reduce_sum3A_91 [0] : vector<10000x128xf32> to vector<128xf32>
    %broadcast_in_dim3A_93 = vector.shape_cast %reduce_sum3A_92 : vector<128xf32> to vector<1x128xf32>
    %div3A_94 = arith.constant 1.000000e+04 : f32
    %div3A_95 = vector.broadcast %div3A_94 : f32 to vector<1x128xf32>
    %div3A_96 = arith.divf %broadcast_in_dim3A_93, %div3A_95 : vector<1x128xf32>
    %sub3A_97 = vector.broadcast %div3A_96 : vector<1x128xf32> to vector<10000x128xf32>
    %sub3A_98 = arith.subf %add3A_77, %sub3A_97 : vector<10000x128xf32>
    %square3A_99 = arith.mulf %sub3A_98, %sub3A_98 : vector<10000x128xf32>
    %convert_element_type3A_100 = arith.sitofp %jit3A_90 : i32 to f32
    %sub3A_101 = arith.constant 1.000000e+04 : f32
    %sub3A_102 = arith.subf %sub3A_101, %convert_element_type3A_100 : f32
    %reduce_sum3A_103 = arith.constant dense<0.000000e+00> : vector<128xf32>
    %reduce_sum3A_104 = vector.multi_reduction <add>, %square3A_99, %reduce_sum3A_103 [0] : vector<10000x128xf32> to vector<128xf32>
    %broadcast_in_dim3A_105 = vector.shape_cast %reduce_sum3A_104 : vector<128xf32> to vector<1x128xf32>
    %div3A_106 = vector.broadcast %sub3A_102 : f32 to vector<1x128xf32>
    %div3A_107 = arith.divf %broadcast_in_dim3A_105, %div3A_106 : vector<1x128xf32>
    %gt3A_108 = arith.constant 0.000000e+00 : f32
    %gt3A_109 = arith.cmpf ogt, %sub3A_102, %gt3A_108 : f32
    %jit3A_110 = arith.constant 0x7FC00000 : f32
    %broadcast_in_dim3A_111 = vector.broadcast %jit3A_110 : f32 to vector<1x128xf32>
    %select_n3A_112 = arith.select %gt3A_109, %div3A_107, %broadcast_in_dim3A_111 : vector<1x128xf32>
    %sub3A_113 = vector.broadcast %div3A_89 : vector<1x128xf32> to vector<10000x128xf32>
    %sub3A_114 = arith.subf %add3A_77, %sub3A_113 : vector<10000x128xf32>
    %add3A_115 = arith.constant 9.99999974E-6 : f32
    %add3A_116 = vector.broadcast %add3A_115 : f32 to vector<1x128xf32>
    %add3A_117 = arith.addf %select_n3A_112, %add3A_116 : vector<1x128xf32>
    %sqrt3A_118 = math.sqrt %add3A_117 : vector<1x128xf32>
    %div3A_119 = vector.broadcast %sqrt3A_118 : vector<1x128xf32> to vector<10000x128xf32>
    %div3A_120 = arith.divf %sub3A_114, %div3A_119 : vector<10000x128xf32>
    %mul3A_121 = vector.broadcast %get3A_80 : vector<1x128xf32> to vector<10000x128xf32>
    %mul3A_122 = arith.mulf %div3A_120, %mul3A_121 : vector<10000x128xf32>
    %add3A_123 = vector.broadcast %get3A_83 : vector<1x128xf32> to vector<10000x128xf32>
    %add3A_124 = arith.addf %mul3A_122, %add3A_123 : vector<10000x128xf32>
    %max3A_125 = arith.constant 0.000000e+00 : f32
    %max3A_126 = vector.broadcast %max3A_125 : f32 to vector<10000x128xf32>
    %max3A_127 = arith.maximumf %add3A_124, %max3A_126 : vector<10000x128xf32>
    %get3A_128 = arith.constant 0 : index
    %get3A_129 = arith.constant 0 : index
    %get3A_130 = vector.load %arg2[%get3A_128, %get3A_129] : memref<10000x1xi32, #tpu.memory_space<vmem>>, vector<10000x1xi32>
    %iota3A = tpu.iota {dimensions = array<i32: 1>} : vector<10000x128xi32>
    %eq3A = vector.broadcast %get3A_130 : vector<10000x1xi32> to vector<10000x128xi32>
    %eq3A_131 = arith.cmpi eq, %eq3A, %iota3A : vector<10000x128xi32>
    %convert_element_type3A_132 = arith.extui %eq3A_131 : vector<10000x128xi1> to vector<10000x128xi32>
    %convert_element_type3A_133 = arith.sitofp %convert_element_type3A_132 : vector<10000x128xi32> to vector<10000x128xf32>
    %dot_general3A_134 = arith.constant dense<0.000000e+00> : vector<128x128xf32>
    %dot_general3A_135 = tpu.matmul %convert_element_type3A_133, %get3A_1, %dot_general3A_134 {dimension_numbers = #tpu.dot_dimension_numbers<[0], [0], [1], [1], [0, 1, 1, 1], [], []>, precision = #tpu.contract_precision<fp32>, transpose_lhs_hint = false} : vector<10000x128xf32>, vector<10000x128xf32>, vector<128x128xf32> -> vector<128x128xf32>
    %get3A_136 = arith.constant 0 : index
    %get3A_137 = arith.constant 0 : index
    %get3A_138 = vector.load %arg12[%get3A_136, %get3A_137] : memref<128x256xf32, #tpu.memory_space<vmem>>, vector<128x256xf32>
    %dot_general3A_139 = arith.constant dense<0.000000e+00> : vector<128x256xf32>
    %dot_general3A_140 = tpu.matmul %dot_general3A_135, %get3A_138, %dot_general3A_139 {dimension_numbers = #tpu.dot_dimension_numbers<[1], [0], [0], [1], [0, 0, 1, 1], [], []>, transpose_lhs_hint = false} : vector<128x128xf32>, vector<128x256xf32>, vector<128x256xf32> -> vector<128x256xf32>
    %get3A_141 = arith.constant 0 : index
    %get3A_142 = arith.constant 0 : index
    %get3A_143 = vector.load %arg13[%get3A_141, %get3A_142] : memref<1x256xf32, #tpu.memory_space<vmem>>, vector<1x256xf32>
    %add3A_144 = vector.broadcast %get3A_143 : vector<1x256xf32> to vector<128x256xf32>
    %add3A_145 = arith.addf %dot_general3A_140, %add3A_144 : vector<128x256xf32>
    %get3A_146 = arith.constant 0 : index
    %get3A_147 = arith.constant 0 : index
    %get3A_148 = vector.load %arg14[%get3A_146, %get3A_147] : memref<1x256xf32, #tpu.memory_space<vmem>>, vector<1x256xf32>
    %get3A_149 = arith.constant 0 : index
    %get3A_150 = arith.constant 0 : index
    %get3A_151 = vector.load %arg15[%get3A_149, %get3A_150] : memref<1x256xf32, #tpu.memory_space<vmem>>, vector<1x256xf32>
    %reduce_sum3A_152 = arith.constant dense<0.000000e+00> : vector<256xf32>
    %reduce_sum3A_153 = vector.multi_reduction <add>, %add3A_145, %reduce_sum3A_152 [0] : vector<128x256xf32> to vector<256xf32>
    %broadcast_in_dim3A_154 = vector.shape_cast %reduce_sum3A_153 : vector<256xf32> to vector<1x256xf32>
    %div3A_155 = arith.constant 1.280000e+02 : f32
    %div3A_156 = vector.broadcast %div3A_155 : f32 to vector<1x256xf32>
    %div3A_157 = arith.divf %broadcast_in_dim3A_154, %div3A_156 : vector<1x256xf32>
    %jit3A_158 = arith.constant 0 : i32
    %reduce_sum3A_159 = arith.constant dense<0.000000e+00> : vector<256xf32>
    %reduce_sum3A_160 = vector.multi_reduction <add>, %add3A_145, %reduce_sum3A_159 [0] : vector<128x256xf32> to vector<256xf32>
    %broadcast_in_dim3A_161 = vector.shape_cast %reduce_sum3A_160 : vector<256xf32> to vector<1x256xf32>
    %div3A_162 = arith.constant 1.280000e+02 : f32
    %div3A_163 = vector.broadcast %div3A_162 : f32 to vector<1x256xf32>
    %div3A_164 = arith.divf %broadcast_in_dim3A_161, %div3A_163 : vector<1x256xf32>
    %sub3A_165 = vector.broadcast %div3A_164 : vector<1x256xf32> to vector<128x256xf32>
    %sub3A_166 = arith.subf %add3A_145, %sub3A_165 : vector<128x256xf32>
    %square3A_167 = arith.mulf %sub3A_166, %sub3A_166 : vector<128x256xf32>
    %convert_element_type3A_168 = arith.sitofp %jit3A_158 : i32 to f32
    %sub3A_169 = arith.constant 1.280000e+02 : f32
    %sub3A_170 = arith.subf %sub3A_169, %convert_element_type3A_168 : f32
    %reduce_sum3A_171 = arith.constant dense<0.000000e+00> : vector<256xf32>
    %reduce_sum3A_172 = vector.multi_reduction <add>, %square3A_167, %reduce_sum3A_171 [0] : vector<128x256xf32> to vector<256xf32>
    %broadcast_in_dim3A_173 = vector.shape_cast %reduce_sum3A_172 : vector<256xf32> to vector<1x256xf32>
    %div3A_174 = vector.broadcast %sub3A_170 : f32 to vector<1x256xf32>
    %div3A_175 = arith.divf %broadcast_in_dim3A_173, %div3A_174 : vector<1x256xf32>
    %gt3A_176 = arith.constant 0.000000e+00 : f32
    %gt3A_177 = arith.cmpf ogt, %sub3A_170, %gt3A_176 : f32
    %jit3A_178 = arith.constant 0x7FC00000 : f32
    %broadcast_in_dim3A_179 = vector.broadcast %jit3A_178 : f32 to vector<1x256xf32>
    %select_n3A_180 = arith.select %gt3A_177, %div3A_175, %broadcast_in_dim3A_179 : vector<1x256xf32>
    %sub3A_181 = vector.broadcast %div3A_157 : vector<1x256xf32> to vector<128x256xf32>
    %sub3A_182 = arith.subf %add3A_145, %sub3A_181 : vector<128x256xf32>
    %add3A_183 = arith.constant 9.99999974E-6 : f32
    %add3A_184 = vector.broadcast %add3A_183 : f32 to vector<1x256xf32>
    %add3A_185 = arith.addf %select_n3A_180, %add3A_184 : vector<1x256xf32>
    %sqrt3A_186 = math.sqrt %add3A_185 : vector<1x256xf32>
    %div3A_187 = vector.broadcast %sqrt3A_186 : vector<1x256xf32> to vector<128x256xf32>
    %div3A_188 = arith.divf %sub3A_182, %div3A_187 : vector<128x256xf32>
    %mul3A_189 = vector.broadcast %get3A_148 : vector<1x256xf32> to vector<128x256xf32>
    %mul3A_190 = arith.mulf %div3A_188, %mul3A_189 : vector<128x256xf32>
    %add3A_191 = vector.broadcast %get3A_151 : vector<1x256xf32> to vector<128x256xf32>
    %add3A_192 = arith.addf %mul3A_190, %add3A_191 : vector<128x256xf32>
    %max3A_193 = arith.constant 0.000000e+00 : f32
    %max3A_194 = vector.broadcast %max3A_193 : f32 to vector<128x256xf32>
    %max3A_195 = arith.maximumf %add3A_192, %max3A_194 : vector<128x256xf32>
    %get3A_196 = arith.constant 0 : index
    %get3A_197 = arith.constant 0 : index
    %get3A_198 = vector.load %arg16[%get3A_196, %get3A_197] : memref<256x128xf32, #tpu.memory_space<vmem>>, vector<256x128xf32>
    %dot_general3A_199 = arith.constant dense<0.000000e+00> : vector<128x128xf32>
    %dot_general3A_200 = tpu.matmul %max3A_195, %get3A_198, %dot_general3A_199 {dimension_numbers = #tpu.dot_dimension_numbers<[1], [0], [0], [1], [0, 0, 1, 1], [], []>, transpose_lhs_hint = false} : vector<128x256xf32>, vector<256x128xf32>, vector<128x128xf32> -> vector<128x128xf32>
    %get3A_201 = arith.constant 0 : index
    %get3A_202 = arith.constant 0 : index
    %get3A_203 = vector.load %arg17[%get3A_201, %get3A_202] : memref<1x128xf32, #tpu.memory_space<vmem>>, vector<1x128xf32>
    %add3A_204 = vector.broadcast %get3A_203 : vector<1x128xf32> to vector<128x128xf32>
    %add3A_205 = arith.addf %dot_general3A_200, %add3A_204 : vector<128x128xf32>
    %get3A_206 = arith.constant 0 : index
    %get3A_207 = arith.constant 0 : index
    %get3A_208 = vector.load %arg18[%get3A_206, %get3A_207] : memref<1x128xf32, #tpu.memory_space<vmem>>, vector<1x128xf32>
    %get3A_209 = arith.constant 0 : index
    %get3A_210 = arith.constant 0 : index
    %get3A_211 = vector.load %arg19[%get3A_209, %get3A_210] : memref<1x128xf32, #tpu.memory_space<vmem>>, vector<1x128xf32>
    %reduce_sum3A_212 = arith.constant dense<0.000000e+00> : vector<128xf32>
    %reduce_sum3A_213 = vector.multi_reduction <add>, %add3A_205, %reduce_sum3A_212 [0] : vector<128x128xf32> to vector<128xf32>
    %broadcast_in_dim3A_214 = vector.shape_cast %reduce_sum3A_213 : vector<128xf32> to vector<1x128xf32>
    %div3A_215 = arith.constant 1.280000e+02 : f32
    %div3A_216 = vector.broadcast %div3A_215 : f32 to vector<1x128xf32>
    %div3A_217 = arith.divf %broadcast_in_dim3A_214, %div3A_216 : vector<1x128xf32>
    %jit3A_218 = arith.constant 0 : i32
    %reduce_sum3A_219 = arith.constant dense<0.000000e+00> : vector<128xf32>
    %reduce_sum3A_220 = vector.multi_reduction <add>, %add3A_205, %reduce_sum3A_219 [0] : vector<128x128xf32> to vector<128xf32>
    %broadcast_in_dim3A_221 = vector.shape_cast %reduce_sum3A_220 : vector<128xf32> to vector<1x128xf32>
    %div3A_222 = arith.constant 1.280000e+02 : f32
    %div3A_223 = vector.broadcast %div3A_222 : f32 to vector<1x128xf32>
    %div3A_224 = arith.divf %broadcast_in_dim3A_221, %div3A_223 : vector<1x128xf32>
    %sub3A_225 = vector.broadcast %div3A_224 : vector<1x128xf32> to vector<128x128xf32>
    %sub3A_226 = arith.subf %add3A_205, %sub3A_225 : vector<128x128xf32>
    %square3A_227 = arith.mulf %sub3A_226, %sub3A_226 : vector<128x128xf32>
    %convert_element_type3A_228 = arith.sitofp %jit3A_218 : i32 to f32
    %sub3A_229 = arith.constant 1.280000e+02 : f32
    %sub3A_230 = arith.subf %sub3A_229, %convert_element_type3A_228 : f32
    %reduce_sum3A_231 = arith.constant dense<0.000000e+00> : vector<128xf32>
    %reduce_sum3A_232 = vector.multi_reduction <add>, %square3A_227, %reduce_sum3A_231 [0] : vector<128x128xf32> to vector<128xf32>
    %broadcast_in_dim3A_233 = vector.shape_cast %reduce_sum3A_232 : vector<128xf32> to vector<1x128xf32>
    %div3A_234 = vector.broadcast %sub3A_230 : f32 to vector<1x128xf32>
    %div3A_235 = arith.divf %broadcast_in_dim3A_233, %div3A_234 : vector<1x128xf32>
    %gt3A_236 = arith.constant 0.000000e+00 : f32
    %gt3A_237 = arith.cmpf ogt, %sub3A_230, %gt3A_236 : f32
    %jit3A_238 = arith.constant 0x7FC00000 : f32
    %broadcast_in_dim3A_239 = vector.broadcast %jit3A_238 : f32 to vector<1x128xf32>
    %select_n3A_240 = arith.select %gt3A_237, %div3A_235, %broadcast_in_dim3A_239 : vector<1x128xf32>
    %sub3A_241 = vector.broadcast %div3A_217 : vector<1x128xf32> to vector<128x128xf32>
    %sub3A_242 = arith.subf %add3A_205, %sub3A_241 : vector<128x128xf32>
    %add3A_243 = arith.constant 9.99999974E-6 : f32
    %add3A_244 = vector.broadcast %add3A_243 : f32 to vector<1x128xf32>
    %add3A_245 = arith.addf %select_n3A_240, %add3A_244 : vector<1x128xf32>
    %sqrt3A_246 = math.sqrt %add3A_245 : vector<1x128xf32>
    %div3A_247 = vector.broadcast %sqrt3A_246 : vector<1x128xf32> to vector<128x128xf32>
    %div3A_248 = arith.divf %sub3A_242, %div3A_247 : vector<128x128xf32>
    %mul3A_249 = vector.broadcast %get3A_208 : vector<1x128xf32> to vector<128x128xf32>
    %mul3A_250 = arith.mulf %div3A_248, %mul3A_249 : vector<128x128xf32>
    %add3A_251 = vector.broadcast %get3A_211 : vector<1x128xf32> to vector<128x128xf32>
    %add3A_252 = arith.addf %mul3A_250, %add3A_251 : vector<128x128xf32>
    %max3A_253 = arith.constant 0.000000e+00 : f32
    %max3A_254 = vector.broadcast %max3A_253 : f32 to vector<128x128xf32>
    %max3A_255 = arith.maximumf %add3A_252, %max3A_254 : vector<128x128xf32>
    %dot_general3A_256 = arith.constant dense<0.000000e+00> : vector<10000x128xf32>
    %dot_general3A_257 = tpu.matmul %convert_element_type3A_133, %max3A_255, %dot_general3A_256 {dimension_numbers = #tpu.dot_dimension_numbers<[1], [0], [0], [1], [0, 0, 1, 1], [], []>, precision = #tpu.contract_precision<fp32>, transpose_lhs_hint = false} : vector<10000x128xf32>, vector<128x128xf32>, vector<10000x128xf32> -> vector<10000x128xf32>
    %add3A_258 = arith.addf %max3A_127, %dot_general3A_257 : vector<10000x128xf32>
    %swap3A = arith.constant 0 : index
    %swap3A_259 = arith.constant 0 : index
    %swap3A_260 = vector.load %arg20[%swap3A, %swap3A_259] : memref<10000x128xf32, #tpu.memory_space<vmem>>, vector<10000x128xf32>
    tpu.vector_store %arg20[%swap3A, %swap3A_259], %add3A_258 {strides = array<i32>} : memref<10000x128xf32, #tpu.memory_space<vmem>>, vector<10000x128xf32>,
    return
  }
}

module attributes {stable_mosaic.version = 14 : i64} {
  func.func @_dense1_body(%arg0: memref<10000x128xf32, #tpu.memory_space<vmem>>, %arg1: memref<2x10240x128xf32, #tpu.memory_space<vmem>>, %arg2: memref<10000x1xi32, #tpu.memory_space<vmem>>, %arg3: memref<1x1xf32, #tpu.memory_space<vmem>>, %arg4: memref<128x256xf32, #tpu.memory_space<vmem>>, %arg5: memref<1x256xf32, #tpu.memory_space<vmem>>, %arg6: memref<1x256xf32, #tpu.memory_space<vmem>>, %arg7: memref<1x256xf32, #tpu.memory_space<vmem>>, %arg8: memref<256x128xf32, #tpu.memory_space<vmem>>, %arg9: memref<1x128xf32, #tpu.memory_space<vmem>>, %arg10: memref<1x128xf32, #tpu.memory_space<vmem>>, %arg11: memref<1x128xf32, #tpu.memory_space<vmem>>, %arg12: memref<128x1xf32, #tpu.memory_space<vmem>>, %arg13: memref<1x1xf32, #tpu.memory_space<vmem>>, %arg14: memref<128x1xf32, #tpu.memory_space<vmem>>) attributes {dimension_semantics = [], scalar_prefetch = 0 : i64, scratch_operands = 0 : i64, tpu.core_type = #tpu.core_type<tc>} {
    %get3A = arith.constant 0 : index
    %get3A_0 = arith.constant 0 : index
    %get3A_1 = vector.load %arg0[%get3A, %get3A_0] : memref<10000x128xf32, #tpu.memory_space<vmem>>, vector<10000x128xf32>
    %get3A_2 = arith.constant 0 : index
    %get3A_3 = arith.constant 0 : index
    %get3A_4 = vector.load %arg3[%get3A_2, %get3A_3] : memref<1x1xf32, #tpu.memory_space<vmem>>, vector<1x1xf32>
    %get3A_5 = vector.extract %get3A_4[0, 0] : f32 from vector<1x1xf32>
    %add3A = arith.constant 1.000000e+00 : f32
    %add3A_6 = arith.addf %add3A, %get3A_5 : f32
    %mul3A = vector.broadcast %add3A_6 : f32 to vector<10000x128xf32>
    %mul3A_7 = arith.mulf %mul3A, %get3A_1 : vector<10000x128xf32>
    %get3A_8 = arith.constant 0 : index
    %get3A_9 = arith.constant 0 : index
    %get3A_10 = arith.constant 0 : index
    %get3A_11 = vector.load %arg1[%get3A_8, %get3A_9, %get3A_10] : memref<2x10240x128xf32, #tpu.memory_space<vmem>>, vector<1x10000x128xf32>
    %get3A_12 = vector.shape_cast %get3A_11 : vector<1x10000x128xf32> to vector<10000x128xf32>
    %add3A_13 = arith.addf %mul3A_7, %get3A_12 : vector<10000x128xf32>
    %get3A_14 = arith.constant 1 : index
    %get3A_15 = arith.constant 0 : index
    %get3A_16 = arith.constant 0 : index
    %get3A_17 = vector.load %arg1[%get3A_14, %get3A_15, %get3A_16] : memref<2x10240x128xf32, #tpu.memory_space<vmem>>, vector<1x10000x128xf32>
    %get3A_18 = vector.shape_cast %get3A_17 : vector<1x10000x128xf32> to vector<10000x128xf32>
    %add3A_19 = arith.addf %add3A_13, %get3A_18 : vector<10000x128xf32>
    %get3A_20 = arith.constant 0 : index
    %get3A_21 = arith.constant 0 : index
    %get3A_22 = vector.load %arg4[%get3A_20, %get3A_21] : memref<128x256xf32, #tpu.memory_space<vmem>>, vector<128x256xf32>
    %dot_general3A = arith.constant dense<0.000000e+00> : vector<10000x256xf32>
    %dot_general3A_23 = tpu.matmul %add3A_19, %get3A_22, %dot_general3A {dimension_numbers = #tpu.dot_dimension_numbers<[1], [0], [0], [1], [0, 0, 1, 1], [], []>, transpose_lhs_hint = false} : vector<10000x128xf32>, vector<128x256xf32>, vector<10000x256xf32> -> vector<10000x256xf32>
    %get3A_24 = arith.constant 0 : index
    %get3A_25 = arith.constant 0 : index
    %get3A_26 = vector.load %arg5[%get3A_24, %get3A_25] : memref<1x256xf32, #tpu.memory_space<vmem>>, vector<1x256xf32>
    %add3A_27 = vector.broadcast %get3A_26 : vector<1x256xf32> to vector<10000x256xf32>
    %add3A_28 = arith.addf %dot_general3A_23, %add3A_27 : vector<10000x256xf32>
    %get3A_29 = arith.constant 0 : index
    %get3A_30 = arith.constant 0 : index
    %get3A_31 = vector.load %arg6[%get3A_29, %get3A_30] : memref<1x256xf32, #tpu.memory_space<vmem>>, vector<1x256xf32>
    %get3A_32 = arith.constant 0 : index
    %get3A_33 = arith.constant 0 : index
    %get3A_34 = vector.load %arg7[%get3A_32, %get3A_33] : memref<1x256xf32, #tpu.memory_space<vmem>>, vector<1x256xf32>
    %reduce_sum3A = arith.constant dense<0.000000e+00> : vector<256xf32>
    %reduce_sum3A_35 = vector.multi_reduction <add>, %add3A_28, %reduce_sum3A [0] : vector<10000x256xf32> to vector<256xf32>
    %broadcast_in_dim3A = vector.shape_cast %reduce_sum3A_35 : vector<256xf32> to vector<1x256xf32>
    %div3A = arith.constant 1.000000e+04 : f32
    %div3A_36 = vector.broadcast %div3A : f32 to vector<1x256xf32>
    %div3A_37 = arith.divf %broadcast_in_dim3A, %div3A_36 : vector<1x256xf32>
    %jit3A = arith.constant 0 : i32
    %reduce_sum3A_38 = arith.constant dense<0.000000e+00> : vector<256xf32>
    %reduce_sum3A_39 = vector.multi_reduction <add>, %add3A_28, %reduce_sum3A_38 [0] : vector<10000x256xf32> to vector<256xf32>
    %broadcast_in_dim3A_40 = vector.shape_cast %reduce_sum3A_39 : vector<256xf32> to vector<1x256xf32>
    %div3A_41 = arith.constant 1.000000e+04 : f32
    %div3A_42 = vector.broadcast %div3A_41 : f32 to vector<1x256xf32>
    %div3A_43 = arith.divf %broadcast_in_dim3A_40, %div3A_42 : vector<1x256xf32>
    %sub3A = vector.broadcast %div3A_43 : vector<1x256xf32> to vector<10000x256xf32>
    %sub3A_44 = arith.subf %add3A_28, %sub3A : vector<10000x256xf32>
    %square3A = arith.mulf %sub3A_44, %sub3A_44 : vector<10000x256xf32>
    %convert_element_type3A = arith.sitofp %jit3A : i32 to f32
    %sub3A_45 = arith.constant 1.000000e+04 : f32
    %sub3A_46 = arith.subf %sub3A_45, %convert_element_type3A : f32
    %reduce_sum3A_47 = arith.constant dense<0.000000e+00> : vector<256xf32>
    %reduce_sum3A_48 = vector.multi_reduction <add>, %square3A, %reduce_sum3A_47 [0] : vector<10000x256xf32> to vector<256xf32>
    %broadcast_in_dim3A_49 = vector.shape_cast %reduce_sum3A_48 : vector<256xf32> to vector<1x256xf32>
    %div3A_50 = vector.broadcast %sub3A_46 : f32 to vector<1x256xf32>
    %div3A_51 = arith.divf %broadcast_in_dim3A_49, %div3A_50 : vector<1x256xf32>
    %gt3A = arith.constant 0.000000e+00 : f32
    %gt3A_52 = arith.cmpf ogt, %sub3A_46, %gt3A : f32
    %jit3A_53 = arith.constant 0x7FC00000 : f32
    %broadcast_in_dim3A_54 = vector.broadcast %jit3A_53 : f32 to vector<1x256xf32>
    %select_n3A = arith.select %gt3A_52, %div3A_51, %broadcast_in_dim3A_54 : vector<1x256xf32>
    %sub3A_55 = vector.broadcast %div3A_37 : vector<1x256xf32> to vector<10000x256xf32>
    %sub3A_56 = arith.subf %add3A_28, %sub3A_55 : vector<10000x256xf32>
    %add3A_57 = arith.constant 9.99999974E-6 : f32
    %add3A_58 = vector.broadcast %add3A_57 : f32 to vector<1x256xf32>
    %add3A_59 = arith.addf %select_n3A, %add3A_58 : vector<1x256xf32>
    %sqrt3A = math.sqrt %add3A_59 : vector<1x256xf32>
    %div3A_60 = vector.broadcast %sqrt3A : vector<1x256xf32> to vector<10000x256xf32>
    %div3A_61 = arith.divf %sub3A_56, %div3A_60 : vector<10000x256xf32>
    %mul3A_62 = vector.broadcast %get3A_31 : vector<1x256xf32> to vector<10000x256xf32>
    %mul3A_63 = arith.mulf %div3A_61, %mul3A_62 : vector<10000x256xf32>
    %add3A_64 = vector.broadcast %get3A_34 : vector<1x256xf32> to vector<10000x256xf32>
    %add3A_65 = arith.addf %mul3A_63, %add3A_64 : vector<10000x256xf32>
    %max3A = arith.constant 0.000000e+00 : f32
    %max3A_66 = vector.broadcast %max3A : f32 to vector<10000x256xf32>
    %max3A_67 = arith.maximumf %add3A_65, %max3A_66 : vector<10000x256xf32>
    %get3A_68 = arith.constant 0 : index
    %get3A_69 = arith.constant 0 : index
    %get3A_70 = vector.load %arg8[%get3A_68, %get3A_69] : memref<256x128xf32, #tpu.memory_space<vmem>>, vector<256x128xf32>
    %dot_general3A_71 = arith.constant dense<0.000000e+00> : vector<10000x128xf32>
    %dot_general3A_72 = tpu.matmul %max3A_67, %get3A_70, %dot_general3A_71 {dimension_numbers = #tpu.dot_dimension_numbers<[1], [0], [0], [1], [0, 0, 1, 1], [], []>, transpose_lhs_hint = false} : vector<10000x256xf32>, vector<256x128xf32>, vector<10000x128xf32> -> vector<10000x128xf32>
    %get3A_73 = arith.constant 0 : index
    %get3A_74 = arith.constant 0 : index
    %get3A_75 = vector.load %arg9[%get3A_73, %get3A_74] : memref<1x128xf32, #tpu.memory_space<vmem>>, vector<1x128xf32>
    %add3A_76 = vector.broadcast %get3A_75 : vector<1x128xf32> to vector<10000x128xf32>
    %add3A_77 = arith.addf %dot_general3A_72, %add3A_76 : vector<10000x128xf32>
    %get3A_78 = arith.constant 0 : index
    %get3A_79 = arith.constant 0 : index
    %get3A_80 = vector.load %arg10[%get3A_78, %get3A_79] : memref<1x128xf32, #tpu.memory_space<vmem>>, vector<1x128xf32>
    %get3A_81 = arith.constant 0 : index
    %get3A_82 = arith.constant 0 : index
    %get3A_83 = vector.load %arg11[%get3A_81, %get3A_82] : memref<1x128xf32, #tpu.memory_space<vmem>>, vector<1x128xf32>
    %reduce_sum3A_84 = arith.constant dense<0.000000e+00> : vector<128xf32>
    %reduce_sum3A_85 = vector.multi_reduction <add>, %add3A_77, %reduce_sum3A_84 [0] : vector<10000x128xf32> to vector<128xf32>
    %broadcast_in_dim3A_86 = vector.shape_cast %reduce_sum3A_85 : vector<128xf32> to vector<1x128xf32>
    %div3A_87 = arith.constant 1.000000e+04 : f32
    %div3A_88 = vector.broadcast %div3A_87 : f32 to vector<1x128xf32>
    %div3A_89 = arith.divf %broadcast_in_dim3A_86, %div3A_88 : vector<1x128xf32>
    %jit3A_90 = arith.constant 0 : i32
    %reduce_sum3A_91 = arith.constant dense<0.000000e+00> : vector<128xf32>
    %reduce_sum3A_92 = vector.multi_reduction <add>, %add3A_77, %reduce_sum3A_91 [0] : vector<10000x128xf32> to vector<128xf32>
    %broadcast_in_dim3A_93 = vector.shape_cast %reduce_sum3A_92 : vector<128xf32> to vector<1x128xf32>
    %div3A_94 = arith.constant 1.000000e+04 : f32
    %div3A_95 = vector.broadcast %div3A_94 : f32 to vector<1x128xf32>
    %div3A_96 = arith.divf %broadcast_in_dim3A_93, %div3A_95 : vector<1x128xf32>
    %sub3A_97 = vector.broadcast %div3A_96 : vector<1x128xf32> to vector<10000x128xf32>
    %sub3A_98 = arith.subf %add3A_77, %sub3A_97 : vector<10000x128xf32>
    %square3A_99 = arith.mulf %sub3A_98, %sub3A_98 : vector<10000x128xf32>
    %convert_element_type3A_100 = arith.sitofp %jit3A_90 : i32 to f32
    %sub3A_101 = arith.constant 1.000000e+04 : f32
    %sub3A_102 = arith.subf %sub3A_101, %convert_element_type3A_100 : f32
    %reduce_sum3A_103 = arith.constant dense<0.000000e+00> : vector<128xf32>
    %reduce_sum3A_104 = vector.multi_reduction <add>, %square3A_99, %reduce_sum3A_103 [0] : vector<10000x128xf32> to vector<128xf32>
    %broadcast_in_dim3A_105 = vector.shape_cast %reduce_sum3A_104 : vector<128xf32> to vector<1x128xf32>
    %div3A_106 = vector.broadcast %sub3A_102 : f32 to vector<1x128xf32>
    %div3A_107 = arith.divf %broadcast_in_dim3A_105, %div3A_106 : vector<1x128xf32>
    %gt3A_108 = arith.constant 0.000000e+00 : f32
    %gt3A_109 = arith.cmpf ogt, %sub3A_102, %gt3A_108 : f32
    %jit3A_110 = arith.constant 0x7FC00000 : f32
    %broadcast_in_dim3A_111 = vector.broadcast %jit3A_110 : f32 to vector<1x128xf32>
    %select_n3A_112 = arith.select %gt3A_109, %div3A_107, %broadcast_in_dim3A_111 : vector<1x128xf32>
    %sub3A_113 = vector.broadcast %div3A_89 : vector<1x128xf32> to vector<10000x128xf32>
    %sub3A_114 = arith.subf %add3A_77, %sub3A_113 : vector<10000x128xf32>
    %add3A_115 = arith.constant 9.99999974E-6 : f32
    %add3A_116 = vector.broadcast %add3A_115 : f32 to vector<1x128xf32>
    %add3A_117 = arith.addf %select_n3A_112, %add3A_116 : vector<1x128xf32>
    %sqrt3A_118 = math.sqrt %add3A_117 : vector<1x128xf32>
    %div3A_119 = vector.broadcast %sqrt3A_118 : vector<1x128xf32> to vector<10000x128xf32>
    %div3A_120 = arith.divf %sub3A_114, %div3A_119 : vector<10000x128xf32>
    %mul3A_121 = vector.broadcast %get3A_80 : vector<1x128xf32> to vector<10000x128xf32>
    %mul3A_122 = arith.mulf %div3A_120, %mul3A_121 : vector<10000x128xf32>
    %add3A_123 = vector.broadcast %get3A_83 : vector<1x128xf32> to vector<10000x128xf32>
    %add3A_124 = arith.addf %mul3A_122, %add3A_123 : vector<10000x128xf32>
    %get3A_125 = arith.constant 0 : index
    %get3A_126 = arith.constant 0 : index
    %get3A_127 = vector.load %arg2[%get3A_125, %get3A_126] : memref<10000x1xi32, #tpu.memory_space<vmem>>, vector<10000x1xi32>
    %iota3A = tpu.iota {dimensions = array<i32: 1>} : vector<10000x128xi32>
    %eq3A = vector.broadcast %get3A_127 : vector<10000x1xi32> to vector<10000x128xi32>
    %eq3A_128 = arith.cmpi eq, %eq3A, %iota3A : vector<10000x128xi32>
    %convert_element_type3A_129 = arith.extui %eq3A_128 : vector<10000x128xi1> to vector<10000x128xi32>
    %convert_element_type3A_130 = arith.sitofp %convert_element_type3A_129 : vector<10000x128xi32> to vector<10000x128xf32>
    %dot_general3A_131 = arith.constant dense<0.000000e+00> : vector<128x128xf32>
    %dot_general3A_132 = tpu.matmul %convert_element_type3A_130, %add3A_124, %dot_general3A_131 {dimension_numbers = #tpu.dot_dimension_numbers<[0], [0], [1], [1], [0, 1, 1, 1], [], []>, precision = #tpu.contract_precision<fp32>, transpose_lhs_hint = false} : vector<10000x128xf32>, vector<10000x128xf32>, vector<128x128xf32> -> vector<128x128xf32>
    %broadcast_in_dim3A_133 = arith.constant 1.000000e+00 : f32
    %broadcast_in_dim3A_134 = vector.broadcast %broadcast_in_dim3A_133 : f32 to vector<10000x1xf32>
    %dot_general3A_135 = arith.constant dense<0.000000e+00> : vector<128x1xf32>
    %dot_general3A_136 = tpu.matmul %convert_element_type3A_130, %broadcast_in_dim3A_134, %dot_general3A_135 {dimension_numbers = #tpu.dot_dimension_numbers<[0], [0], [1], [1], [0, 1, 1, 1], [], []>, precision = #tpu.contract_precision<fp32>, transpose_lhs_hint = false} : vector<10000x128xf32>, vector<10000x1xf32>, vector<128x1xf32> -> vector<128x1xf32>
    %max3A_137 = arith.constant 1.000000e+00 : f32
    %max3A_138 = vector.broadcast %max3A_137 : f32 to vector<128x1xf32>
    %max3A_139 = arith.maximumf %dot_general3A_136, %max3A_138 : vector<128x1xf32>
    %div3A_140 = vector.broadcast %max3A_139 : vector<128x1xf32> to vector<128x128xf32>
    %div3A_141 = arith.divf %dot_general3A_132, %div3A_140 : vector<128x128xf32>
    %get3A_142 = arith.constant 0 : index
    %get3A_143 = arith.constant 0 : index
    %get3A_144 = vector.load %arg12[%get3A_142, %get3A_143] : memref<128x1xf32, #tpu.memory_space<vmem>>, vector<128x1xf32>
    %dot_general3A_145 = arith.constant dense<0.000000e+00> : vector<128x1xf32>
    %dot_general3A_146 = tpu.matmul %div3A_141, %get3A_144, %dot_general3A_145 {dimension_numbers = #tpu.dot_dimension_numbers<[1], [0], [0], [1], [0, 0, 1, 1], [], []>, transpose_lhs_hint = false} : vector<128x128xf32>, vector<128x1xf32>, vector<128x1xf32> -> vector<128x1xf32>
    %get3A_147 = arith.constant 0 : index
    %get3A_148 = arith.constant 0 : index
    %get3A_149 = vector.load %arg13[%get3A_147, %get3A_148] : memref<1x1xf32, #tpu.memory_space<vmem>>, vector<1x1xf32>
    %add3A_150 = vector.broadcast %get3A_149 : vector<1x1xf32> to vector<128x1xf32>
    %add3A_151 = arith.addf %dot_general3A_146, %add3A_150 : vector<128x1xf32>
    %swap3A = arith.constant 0 : index
    %swap3A_152 = arith.constant 0 : index
    %swap3A_153 = vector.load %arg14[%swap3A, %swap3A_152] : memref<128x1xf32, #tpu.memory_space<vmem>>, vector<128x1xf32>
    tpu.vector_store %arg14[%swap3A, %swap3A_152], %add3A_151 {strides = array<i32>} : memref<128x1xf32, #tpu.memory_space<vmem>>, vector<128x1xf32>,
    return
  }
}

</mosaic_0001>

<sc_bundles>
// kernel: kernel.6.cloned.1.call-start
scs
__scs_entry_jumppad:
0x0: {  	(pc) =	sbr.rel $0x88, $3  }
0x1: {  	(tag) =	ssettag $0x0;
	lr =	simm.s32 $0x1  }
0x2: {  	[smem:$0x3F81] =	sst lr;
	_ =	strace $0xD0000000  }
0x3: {  	_ = 	snop  }
0x4: {  	_ = 	snop  }
0x5: {  	_ = 	snop  }
0x6: {  	_ = 	snop  }
0x7: {  	_ = 	snop  }
__scs_overlays_trampoline_lowered:
0x8: {  	[smem:$0x3F90] =	sst s0  }
0x9: {  	[smem:$0x3F91] =	sst s1  }
0xa: {  	[smem:$0x3F92] =	sst s2  }
0xb: {  	[smem:$0x3F93] =	sst s3  }
0xc: {  	[smem:$0x3F94] =	sst s4  }
0xd: {  	[smem:$0x3F95] =	sst s5  }
0xe: {  	[smem:$0x3F96] =	sst s6  }
0xf: {  	[smem:$0x3F97] =	sst s7  }
0x10: {  	[smem:$0x3F98] =	sst s8  }
0x11: {  	[smem:$0x3F99] =	sst s9;
	s0 =	simm.s32 @!p0 $0x0  }
0x12: {  	s1 =	sld [smem:$0x3F7F];
	s0 =	simm.s32 @p0 $0x1  }
0x13: {  	[smem:$0x3F9A] =	sst s0;
	s0 =	simm.s32 @!p1 $0x0  }
0x14: {  	s2 =	sld [smem:$0x3F7E];
	s0 =	simm.s32 @p1 $0x1  }
0x15: {  	[smem:$0x3F9B] =	sst s0;
	s0 =	simm.s32 @!p2 $0x0  }
0x16: {  	s3 =	sld [smem:$0x3FDB];
	s0 =	simm.s32 @p2 $0x1  }
0x17: {  	s4 =	simm.s32 $0x1BF5;
	[smem:$0x3F9D] =	sst s0  }
0x18: {  	s0 =	sld [smem:$0x3F80];
	_ =	swait.ge [sflag:s4], $0x0  }
0x19: {  	s7 =	sld [smem:$0x3F81]  }
0x1a: {  	s8 =	sadd.s32 $0xFFFFE003, lr  }
0x1b: {  	s9 =	sadd.s32 $0xFFFFFEF7, lr;
	s5 =	simm.s32 $0xFFFFFFFF;
	p2 =	slt.u32 s8, $0xFFFFF086  }
0x1c: {  	p1 =	slt.u32 s9, $0xF7A;
	s5 =	simm.s32 @!p2 $0x0  }
0x1d: {  	s5 =	simm.s32 @p1 $0x1;
	p0 =	seq.s32 s7, s2  }
0x1e: {  	s7 =	smul.u32 @!p0 $0xF7A, s2;
	p2 =	seq.s32 @!p0 s5, $0x0  }
0x1f: {  	s9 =	smul.u32 $0xF7A, s1;
	s8 =	simm.s32 @!p0 $0x1BF5;
	p2 =	por !p2, p0  }
0x20: {  	[sflag:s8] =	ssyncset.s32 @!p0 $0xFFFFF086;
	s6 =	sadd.s32 @!p0 s3, s7;
	s7 =	simm.s32 @!p0 $0x108  }
0x21: {  	s3 =	sadd.s32 s3, s9;
	s6 =	sadd.s32 @!p0 $0x88, s6;
	s7 =	simm.s32 @p2 $0x1082  }
0x22: {  	[simem:s7], [sflag:s8] =	dma.local @!p0 [hbm:s6], $0xF7A  }
0x23: {  	s9 =	sor.u32 $0xD0000000, s2;
	s6 =	simm.s32 $0x108;
	_ =	swait.ge @!p0 [sflag:s8], $0x0  }
0x24: {  	s3 =	sadd.s32 $0x88, s3;
	s6 =	simm.s32 @!p1 $0x1082;
	[sflag:s4] =	ssyncset.s32 $0xFFFFF086  }
0x25: {  	[simem:s6], [sflag:s4] =	dma.local [hbm:s3], $0xF7A  }
0x26: {  	[smem:$0x3F81] =	sst s1;
	(tag) =	ssettag s2;
	_ =	strace s9  }
0x27: {  	s1 =	sld [smem:$0x3F91]  }
0x28: {  	s2 =	sld [smem:$0x3F92]  }
0x29: {  	s4 =	sld [smem:$0x3F94]  }
0x2a: {  	p0 =	seq.s32 s5, $0x0;
	s5 =	sld [smem:$0x3F95]  }
0x2b: {  	s6 =	sld [smem:$0x3F96]  }
0x2c: {  	s7 =	sld [smem:$0x3F97]  }
0x2d: {  	s3 =	simm.s32 $0x108;
	s8 =	sld [smem:$0x3F98]  }
0x2e: {  	s3 =	simm.s32 @!p0 $0x1082;
	s9 =	sld [smem:$0x3F99]  }
0x2f: {  	lr =	sadd.s32 s0, s3;
	s0 =	sld [smem:$0x3F90]  }
0x30: {  	s3 =	sld [smem:$0x3F93]  }
0x31: {  	[smem:$0x3F9C] =	sst s10  }
0x32: {  	s10 =	sld [smem:$0x3F9A];
	_ =	sdelay $0x3  }
0x33: {  	p0 =	seq.s32 s10, $0x1;
	s10 =	sld [smem:$0x3F9C];
	_ =	sdelay $0x3  }
0x34: {  	[smem:$0x3F9C] =	sst s10  }
0x35: {  	s10 =	sld [smem:$0x3F9B];
	_ =	sdelay $0x3  }
0x36: {  	p1 =	seq.s32 s10, $0x1;
	s10 =	sld [smem:$0x3F9C];
	_ =	sdelay $0x3  }
0x37: {  	[smem:$0x3F9C] =	sst s10  }
0x38: {  	s10 =	sld [smem:$0x3F9D]  }
0x39: {  	_ = 	snop;
	(pc) =	sbr.ind lr, $3  }
0x3a: {  	_ = 	snop  }
0x3b: {  	_ = 	snop  }
0x3c: {  	p2 =	seq.s32 s10, $0x1;
	s10 =	sld [smem:$0x3F9C]  }
0x3d: {  	_ =	shalt  }
0x3e: {  	_ =	shalt  }
0x3f: {  	_ =	shalt  }
0x40: {  	_ =	shalt  }
0x41: {  	_ =	shalt  }
0x42: {  	_ =	shalt  }
0x43: {  	_ =	shalt  }
0x44: {  	_ =	shalt  }
0x45: {  	_ =	shalt  }
0x46: {  	_ =	shalt  }
0x47: {  	_ =	shalt  }
0x48: {  	_ =	shalt  }
0x49: {  	_ =	shalt  }
0x4a: {  	_ =	shalt  }
0x4b: {  	_ =	shalt  }
0x4c: {  	_ =	shalt  }
0x4d: {  	_ =	shalt  }
0x4e: {  	_ =	shalt  }
0x4f: {  	_ =	shalt  }
0x50: {  	_ =	shalt  }
0x51: {  	_ =	shalt  }
0x52: {  	_ =	shalt  }
0x53: {  	_ =	shalt  }
0x54: {  	_ =	shalt  }
0x55: {  	_ =	shalt  }
0x56: {  	_ =	shalt  }
0x57: {  	_ =	shalt  }
0x58: {  	_ =	shalt  }
0x59: {  	_ =	shalt  }
0x5a: {  	_ =	shalt  }
0x5b: {  	_ =	shalt  }
0x5c: {  	_ =	shalt  }
0x5d: {  	_ =	shalt  }
0x5e: {  	_ =	shalt  }
0x5f: {  	_ =	shalt  }
0x60: {  	_ =	shalt  }
0x61: {  	_ =	shalt  }
0x62: {  	_ =	shalt  }
0x63: {  	_ =	shalt  }
0x64: {  	_ =	shalt  }
0x65: {  	_ =	shalt  }
0x66: {  	_ =	shalt  }
0x67: {  	_ =	shalt  }
0x68: {  	_ =	shalt  }
0x69: {  	_ =	shalt  }
0x6a: {  	_ =	shalt  }
0x6b: {  	_ =	shalt  }
0x6c: {  	_ =	shalt  }
0x6d: {  	_ =	shalt  }
0x6e: {  	_ =	shalt  }
0x6f: {  	_ =	shalt  }
0x70: {  	_ =	shalt  }
0x71: {  	_ =	shalt  }
0x72: {  	_ =	shalt  }
0x73: {  	_ =	shalt  }
0x74: {  	_ =	shalt  }
0x75: {  	_ =	shalt  }
0x76: {  	_ =	shalt  }
0x77: {  	_ =	shalt  }
0x78: {  	_ =	shalt  }
0x79: {  	_ =	shalt  }
0x7a: {  	_ =	shalt  }
0x7b: {  	_ =	shalt  }
0x7c: {  	_ =	shalt  }
0x7d: {  	_ =	shalt  }
0x7e: {  	_ =	shalt  }
0x7f: {  	_ =	shalt  }
0x80: {  	_ =	shalt  }
0x81: {  	_ =	shalt  }
0x82: {  	_ =	shalt  }
0x83: {  	_ =	shalt  }
0x84: {  	_ =	shalt  }
0x85: {  	_ =	shalt  }
0x86: {  	_ =	shalt  }
0x87: {  	_ =	shalt  }
.Lfunc_end0:
.L_simem_size_0:
called_computation_lowered:
.L_overlay_start_0:
0x88: {  	s2 =	sld [smem:$0x3FD9]  }
0x89: {  	s3 =	sld [smem:$0x3FFE];
	_ =	sdelay $0x1  }
0x8a: {  	s1 =	srdreg.scid  }
0x8b: {  	s0 =	sand.u32 $0x1, s1  }
0x8c: {  	s17 =	sshll.u32 s0, $0xA;
	s2 =	sadd.s32 s3, s2  }
0x8d: {  	s2 =	sadd.s32 s2, s17  }
0x8e: {  	[smem:$0x3FA8] =	sst s2  }
0x8f: {  	_ = 	snop  }
0x90: {  	s2 =	sld [smem:$0x3FC9]  }
0x91: {  	s18 =	sld [smem:$0x3FC7];
	(tm) =	ssettm $0x1  }
0x92: {  	s4 =	sld [smem:$0x3FFB];
	_ =	sdelay $0x3  }
0x93: {  	_ =	strace s4  }
0x94: {  	s4 =	sld [smem:$0x3FFC];
	_ =	sdelay $0x3  }
0x95: {  	_ =	strace s4  }
0x96: {  	s4 =	sld [smem:$0x3FFD];
	_ =	sdelay $0x3  }
0x97: {  	_ =	strace s4  }
0x98: {  	_ =	strace $0x8FFFFFFF  }
0x99: {  	s19 =	sld [smem:$0x3FDB];
	_ =	sdelay $0x1  }
0x9a: {  	s5 =	simm.s32 $_scs_section_size  }
0x9b: {  	s6 =	simm.s32 $_size__tile_overlayer_lowered;
	s7 =	simm.s32 $_tile_overlayer_lowered  }
0x9c: {  	s22 =	simm.s32 $0x1BFF;
	s21 =	sshll.u32 s7, $0x1;
	s4 =	sadd.s32 s5, s19  }
0x9d: {  	s8 =	simm.s32 $0x0;
	s20 =	sshll.u32 s6, $0x1;
	s6 =	sadd.s32 s21, s4  }
0x9e: {  	[timem:s8], [sflag:s22] =	dma.local [hbm:s6], s20  }
0x9f: {  	_ =	swait.ge [sflag:s22], s20  }
0xa0: {  	s5 =	ssub.s32 $0x0, s20;
	[sflag:s22] =	ssyncset.done $0x0  }
0xa1: {  	[sflag:s22] =	ssyncadd.s32 s5;
	_ =	sdelay $0x1  }
0xa2: {  	s23 =	simm.s32 $0x1B8B  }
0xa3: {  	_ =	swait.ge [sflag:s23], $0x1  }
0xa4: {  	[sflag:s23] =	ssyncset.done $0x0  }
0xa5: {  	s25 =	simm.s32 $0x1B8E;
	s24 =	sld [smem:$0x3FFE];
	[sflag:s23] =	ssyncadd.s32 $0xFFFFFFFF  }
0xa6: {  	s26 =	simm.s32 $execute0_lowered;
	[smem:$0x3FD2] =	sst s25  }
0xa7: {  	s6 =	sshll.u32 s26, $0x1;
	_ =	strace $0x80000046;
	[dreg:$0x1] =	wrdreg $0xFFFFFFFF  }
0xa8: {  	s28 =	simm.s32 $_size_execute0_lowered;
	s4 =	sadd.s32 s4, s6;
	[dreg:$0x0] =	wrdreg $0x0  }
0xa9: {  	s6 =	sshll.u32 s28, $0x1;
	[dreg:$0x2] =	wrdreg s4  }
0xaa: {  	[dreg:$0x3] =	wrdreg s6  }
0xab: {  	[dreg:$0x4] =	wrdreg $0xC0  }
0xac: {  	_ =	task [dreg:s8], $0x5FFFF  }
0xad: {  	[dreg:$0x1] =	wrdreg $0xFFFFFFFF  }
0xae: {  	[dreg:$0x0] =	wrdreg $0x60  }
0xaf: {  	[dreg:$0x2] =	wrdreg s2  }
0xb0: {  	[dreg:$0x3] =	wrdreg s24  }
0xb1: {  	[dreg:$0x4] =	wrdreg s18  }
0xb2: {  	[dreg:$0x5] =	wrdreg $0x61000  }
0xb3: {  	[dreg:$0x6] =	wrdreg $0x9  }
0xb4: {  	_ =	task.clear_ibuf [dreg:s8], $0x7FFFF;
	_ =	strace $0x90000046  }
0xb5: {  	s29 =	simm.s32 $0x9;
	_ =	strace $0x80000048  }
0xb6: {  	_ =	swait.ge [sflag:s29], $0x1  }
0xb7: {  	[sflag:s29] =	ssyncadd.s32 $0xFFFFFFFF  }
0xb8: {  	_ =	strace $0x90000048  }
0xb9: {  	_ =	sfence  }
0xba: {  	s30 =	sld [smem:$0x0];
	_ =	sdelay $0x2  }
0xbb: {  	s31 =	sshll.u32 s1, $0xD;
	s1 =	sshrl.u32 s1, $0x2  }
0xbc: {  	s3 =	sand.u32 $0x4000, s31;
	s1 =	sadd.s32 s1, s30  }
0xbd: {  	s0 =	sor.u32 s3, s0;
	s1 =	sshll.u32 s1, $0x11  }
0xbe: {  	s0 =	sor.u32 s1, s0  }
0xbf: {  	s0 =	sadd.s32 $0x8F2B, s0  }
0xc0: {  	[sflag:s0] =	ssyncadd.remote.s32 $0x1  }
0xc1: {  	_ =	sfence.sel $0xFFFF  }
0xc2: {  	[dreg:$0x0] =	wrdreg $0xFFFFFFFF;
	(pc) =	sbr.abs _section_cstart, $3  }
0xc3: {  	[dreg:$0x1] =	wrdreg $0xFFFFFFFF  }
0xc4: {  	_ =	task.clear_ibuf [dreg:s8], $0x2FFFF;
	_ =	strace $0x9FFFFFFF  }
0xc5: {  	(tm) =	ssettm $0x7FFFFFFF  }
tec
execute0_lowered:
.L_overlay_start_1:
0x0: {  	(tag) =	ssettag $0x1  }
0x1: {  	s1 =	rddreg [dreg:$0x0]  }
0x2: {  	s8 =	rddreg [dreg:$0x1]  }
0x3: {  	s2 =	rddreg [dreg:$0x2]  }
0x4: {  	s4 =	rddreg [dreg:$0x3]  }
0x5: {  	s0 =	rddreg [dreg:$0x4];
	s5 =	simm.s32 $0x0  }
0x6: {  	s3 =	stileid.u32;
	s6 =	srdreg.scid;
	s15 =	simm.s32 $0x50  }
0x7: {  	s16 =	simm.s32 $0x1100;
	s17 =	simm.s32 $0x1080;
	s18 =	simm.s32 $0x3900  }
0x8: {  	s19 =	simm.s32 $0x1;
	s20 =	simm.s32 $0x2;
	s21 =	simm.s32 $0x1000  }
0x9: {  	[smem:$0x7FF] =	sst s5;
	s22 =	smul.u32 $0x2800, s3;
	s9 =	sand.u32 $0x1, s6  }
0xa: {  	s6 =	sadd.s32 $0xA200, s8;
	s7 =	sadd.s32 $0x400, s8;
	s13 =	smul.u32 $0x50000, s3  }
0xb: {  	s31 =	sshll.u32 s3, $0x6;
	_ =	strace $0x80000047;
	s10 =	smul.u32 $0x28000, s9  }
0xc: {  	s12 =	ssub.s32 $0x2, s9;
	s9 =	sshll.u32 s9, $0x4;
	s11 =	sadd.s32 s22, s8  }
0xd: {  	s28 =	sshrl.u32 s12, $0x1;
	s29 =	sor.u32 s3, s9;
	s30 =	sshrl.u32 s13, $0x2  }
0xe: {  	s14 =	sadd.s32 s10, s8;
	s12 =	ssub.s32 s12, s28;
	s8 =	smul.u32 $0x2710, s29  }
0xf: {  	s13 =	sadd.s32 s30, s4;
	s9 =	sadd.s32 $0x14000, s11;
	s10 =	sor.u32 $0x1C03, s31  }
0x10: {  	s23 =	sadd.s32 $0x3C000, s14;
	s11 =	smax.u32 s12, $0x1;
	s12 =	sshrl.u32 s13, $0x3  }
0x11: {  	v0 =	vlaneseq.u32;
	s13 =	simm.s32 $0x3;
	s14 =	simm.s32 $0x800;
	s22 =	sadd.s32 s22, s23  }
.LBB2_1:
0x12: {  	[spmem:s12], [sflag:s10] =	dma.local [hbm:s9], $0x2800  }
0x13: {  	_ =	swait.ge [sflag:s13], $0x2800  }
0x14: {  	[sflag:s13] =	ssyncset.done $0x0  }
0x15: {  	[sflag:s13] =	ssyncadd.s32 $0xFFFFD800  }
0x16: {  	s23 =	simm.s32 $0x0;
	[bflag:$0x0] =	sbarrier.arrive $0xFFFF  }
.LBB2_2:
0x17: {  	s24 =	smul.u32 $0x7D0, s23;
	_ =	sdelay $0x1  }
0x18: {  	s24 =	sadd.s32 s8, s24  }
0x19: {  	s26 =	sshrl.u32 s24, $0x3  }
0x1a: {  	s25 =	simm.s32 $0x0;
	s28 =	sadd.s32 s6, s26  }
0x1b: {  	[tilespmem:s25], [sflag:$0x3] =	stream.linear.gather [hbm4b:s28+s25], $0x7D0, $0x38;
	[tilespmem:$0x1A100] =	vst v63  }
0x1c: {  	_ =	swait.ge [sflag:s13], $0x7D0  }
0x1d: {  	[sflag:s13] =	ssyncset.done $0x0  }
0x1e: {  	s26 =	sadd.s32 s7, s26;
	[sflag:s13] =	ssyncadd.s32 $0xFFFFF830  }
0x1f: {  	[tilespmem:s14], [sflag:$0x3] =	stream.linear.gather [hbm4b:s26+s25], $0x7D0, $0x38;
	[tilespmem:$0x1A100] =	vst v63  }
0x20: {  	_ =	swait.ge [sflag:s13], $0x7D0  }
0x21: {  	[sflag:s13] =	ssyncset.done $0x0  }
0x22: {  	[sflag:s13] =	ssyncadd.s32 $0xFFFFF830  }
.LBB2_3:
0x23: {  	s26 =	smul.u32 $0x50, s25;
	_ =	sdelay $0x1  }
0x24: {  	s28 =	sadd.s32 s24, s26  }
0x25: {  	v1 =	vor.u32 s28, v0  }
0x26: {  	[tilespmem:$0x1080] =	vst v1  }
0x27: {  	v1 =	vld [tilespmem:s26+$0x800];
	_ =	sdelay $0x3  }
0x28: {  	s29 =	sadd.s32 $0x10, s28  }
0x29: {  	[tilespmem:$0x1000] =	vst v1;
	v1 =	vor.u32 s29, v0  }
0x2a: {  	[tilespmem:$0x1090] =	vst v1  }
0x2b: {  	v1 =	vld [tilespmem:s26+$0x810];
	_ =	sdelay $0x3  }
0x2c: {  	s30 =	sadd.s32 $0x20, s28  }
0x2d: {  	[tilespmem:$0x1010] =	vst v1;
	v1 =	vor.u32 s30, v0  }
0x2e: {  	[tilespmem:$0x10A0] =	vst v1  }
0x2f: {  	v1 =	vld [tilespmem:s26+$0x820];
	_ =	sdelay $0x3  }
0x30: {  	s31 =	sadd.s32 $0x30, s28  }
0x31: {  	[tilespmem:$0x1020] =	vst v1;
	v1 =	vor.u32 s31, v0  }
0x32: {  	[tilespmem:$0x10B0] =	vst v1  }
0x33: {  	v1 =	vld [tilespmem:s26+$0x830];
	_ =	sdelay $0x3  }
0x34: {  	s28 =	sadd.s32 $0x40, s28  }
0x35: {  	[tilespmem:$0x1030] =	vst v1;
	v1 =	vor.u32 s28, v0  }
0x36: {  	[tilespmem:$0x10C0] =	vst v1  }
0x37: {  	v1 =	vld [tilespmem:s26+$0x840];
	_ =	sdelay $0x4  }
0x38: {  	[tilespmem:$0x1040] =	vst v1  }
0x39: {  	[tilespmem:s16], [sflag:$0x1] =	stream.indirect.gather [hbm4b:s1+s15], $0x80, s26, s15, $0xb8;
	[tilespmem:$0x1A100] =	vst v63  }
0x3a: {  	_ = 	snop  }
0x3b: {  	[tilespmem:s18], [sflag:$0x2] =	stream.indirect.gather [hbm4b:s2+s15], $0x80, s17, s15, $0xb8;
	[tilespmem:$0x1A100] =	vst v63  }
0x3c: {  	_ =	swait.ge [sflag:s19], $0x2800  }
0x3d: {  	[sflag:s19] =	ssyncset.done $0x0  }
0x3e: {  	[sflag:s19] =	ssyncadd.s32 $0xFFFFD800  }
0x3f: {  	_ =	swait.ge [sflag:s20], $0x2800  }
0x40: {  	[sflag:s20] =	ssyncset.done $0x0  }
0x41: {  	s26 =	simm.s32 $0x0;
	[sflag:s20] =	ssyncadd.s32 $0xFFFFD800  }
0x42: {  	v7 =	vld [tilespmem:s26+$0x3900]  }
0x43: {  	v12 =	vld [tilespmem:s26+$0x3910]  }
0x44: {  	v6 =	vld [tilespmem:s26+$0x3920]  }
0x45: {  	v5 =	vld [tilespmem:s26+$0x3930]  }
0x46: {  	v4 =	vld [tilespmem:s26+$0x3940]  }
0x47: {  	v3 =	vld [tilespmem:s26+$0x3950]  }
0x48: {  	v2 =	vld [tilespmem:s26+$0x3960]  }
0x49: {  	v1 =	vld [tilespmem:s26+$0x3970]  }
0x4a: {  	v13 =	vld [tilespmem:s26+$0x1100]  }
0x4b: {  	v14 =	vld [tilespmem:s26+$0x1110]  }
0x4c: {  	v11 =	vld [tilespmem:s26+$0x1120]  }
0x4d: {  	v10 =	vld [tilespmem:s26+$0x1130]  }
0x4e: {  	v9 =	vld [tilespmem:s26+$0x1140]  }
0x4f: {  	v8 =	vld [tilespmem:s26+$0x1150];
	v13 =	vadd.f32 v7, v13  }
0x50: {  	s28 =	simm.s32 $0x200;
	v12 =	vadd.f32 v12, v14;
	v7 =	vld [tilespmem:s26+$0x1160]  }
.LBB2_4:
0x51: {  	s29 =	sshra.s32 s28, $0x2;
	p0 =	sne.s32 s28, $0x9E00;
	v13 =	vmax.f32 v13, $0.0e+00;
	v6 =	vadd.f32 v6, v11;
	v11 =	vld [tilespmem:s26+$0x1170]  }
0x52: {  	v14 =	vld [tilespmem:s29+$0x3900];
	[tilespmem:s26+$0x1100] =	vst v13;
	v12 =	vmax.f32 v12, $0.0e+00;
	v5 =	vadd.f32 v5, v10  }
0x53: {  	v15 =	vld [tilespmem:s29+$0x3910];
	[tilespmem:s26+$0x1110] =	vst v12;
	v10 =	vmax.f32 v6, $0.0e+00;
	v4 =	vadd.f32 v4, v9  }
0x54: {  	v6 =	vld [tilespmem:s29+$0x3920];
	[tilespmem:s26+$0x1120] =	vst v10;
	v9 =	vmax.f32 v5, $0.0e+00;
	v3 =	vadd.f32 v3, v8  }
0x55: {  	v5 =	vld [tilespmem:s29+$0x3930];
	[tilespmem:s26+$0x1130] =	vst v9;
	v8 =	vmax.f32 v4, $0.0e+00;
	v2 =	vadd.f32 v2, v7  }
0x56: {  	v4 =	vld [tilespmem:s29+$0x3940];
	[tilespmem:s26+$0x1140] =	vst v8;
	v7 =	vmax.f32 v3, $0.0e+00;
	v1 =	vadd.f32 v1, v11  }
0x57: {  	v3 =	vld [tilespmem:s29+$0x3950];
	[tilespmem:s26+$0x1150] =	vst v7;
	v7 =	vmax.f32 v2, $0.0e+00  }
0x58: {  	v2 =	vld [tilespmem:s29+$0x3960];
	[tilespmem:s26+$0x1160] =	vst v7;
	v7 =	vmax.f32 v1, $0.0e+00  }
0x59: {  	v1 =	vld [tilespmem:s29+$0x3970];
	[tilespmem:s26+$0x1170] =	vst v7;
	s26 =	smov.u32 s29  }
0x5a: {  	v7 =	vld [tilespmem:s26+$0x1100]  }
0x5b: {  	v12 =	vld [tilespmem:s26+$0x1110]  }
.Ltmp0:
0x5c: {  	v11 =	vld [tilespmem:s26+$0x1120];
	(pc) =	sbr.rel @p0 .LBB2_4-.Ltmp0, $4  }
0x5d: {  	v10 =	vld [tilespmem:s26+$0x1130]  }
0x5e: {  	v9 =	vld [tilespmem:s26+$0x1140]  }
0x5f: {  	v13 =	vadd.f32 v14, v7;
	v8 =	vld [tilespmem:s26+$0x1150]  }
0x60: {  	s28 =	sadd.s32 $0x200, s28;
	v12 =	vadd.f32 v15, v12;
	v7 =	vld [tilespmem:s26+$0x1160]  }
0x61: {  	v13 =	vmax.f32 v13, $0.0e+00;
	v6 =	vadd.f32 v6, v11;
	v63 =	vld [tilespmem:s26+$0x1170]  }
0x62: {  	[tilespmem:s26+$0x1100] =	vst v13;
	v12 =	vmax.f32 v12, $0.0e+00;
	v5 =	vadd.f32 v5, v10  }
0x63: {  	[tilespmem:s26+$0x1110] =	vst v12;
	v6 =	vmax.f32 v6, $0.0e+00;
	v4 =	vadd.f32 v4, v9  }
0x64: {  	[tilespmem:s26+$0x1120] =	vst v6;
	v5 =	vmax.f32 v5, $0.0e+00;
	v3 =	vadd.f32 v3, v8  }
0x65: {  	[tilespmem:s26+$0x1130] =	vst v5;
	v4 =	vmax.f32 v4, $0.0e+00;
	v2 =	vadd.f32 v2, v7  }
0x66: {  	[tilespmem:s26+$0x1140] =	vst v4;
	v3 =	vmax.f32 v3, $0.0e+00;
	v1 =	vadd.f32 v1, v63  }
0x67: {  	s25 =	sadd.s32 $0x1, s25;
	[tilespmem:s26+$0x1150] =	vst v3;
	v2 =	vmax.f32 v2, $0.0e+00  }
0x68: {  	p0 =	sne.s32 s25, $0x19;
	[tilespmem:s26+$0x1160] =	vst v2;
	v1 =	vmax.f32 v1, $0.0e+00  }
.Ltmp1:
0x69: {  	[tilespmem:s26+$0x1170] =	vst v1;
	(pc) =	sbr.rel @p0 .LBB2_3-.Ltmp1, $4  }
0x6a: {  	[spmem:s4] =	stream.indirect.scatter.add.f32 [tilespmem:s16], [sflag:$0x3], $0x80, s21, s15, $0xb8;
	[tilespmem:$0x1A100] =	vst v63  }
0x6b: {  	_ =	swait.ge [sflag:s13], $0x2800  }
0x6c: {  	[sflag:s13] =	ssyncset.done $0x0  }
0x6d: {  	[sflag:s13] =	ssyncadd.s32 $0xFFFFD800  }
0x6e: {  	s23 =	sadd.s32 $0x1, s23  }
0x6f: {  	p0 =	sne.s32 s23, $0x5  }
.Ltmp2:
0x70: {  	_ = 	snop;
	(pc) =	sbr.rel @p0 .LBB2_2-.Ltmp2, $1  }
0x71: {  	_ =	sdelay $0x3  }
0x72: {  	s5 =	sadd.s32 $0x1, s5  }
0x73: {  	p0 =	sne.s32 s5, s11  }
.Ltmp3:
0x74: {  	[bflag:$0x0] =	sbarrier.arrive $0xFFFF;
	(pc) =	sbr.rel @p0 .LBB2_1-.Ltmp3, $4  }
0x75: {  	[hbm:s22], [sflag:s10] =	dma.local [spmem:s12], $0x2800  }
0x76: {  	_ =	swait.ge [sflag:s13], $0x2800  }
0x77: {  	[sflag:s13] =	ssyncset.done $0x0  }
0x78: {  	[sflag:s13] =	ssyncadd.s32 $0xFFFFD800  }
0x79: {  	_ =	sfence.sel $0x180000  }
0x7a: {  	[bflag:$0x0] =	sbarrier.arrive $0xFFFF  }
0x7b: {  	p0 =	sne.s32 s3, $0x0;
	_ =	strace $0x90000047  }
0x7c: {  	s0 =	sadd.s32 @!p0 $0x100000, s0;
	[bflag:$0x2] =	sbarrier.arrive $0xFFFF  }
0x7d: {  	[sflag:s0] =	ssyncadd.tile.s32 @!p0 $0x1;
	_ =	shalt  }
.Lfunc_end2:
_tile_overlayer_lowered:
.L_overlay_start_2:
0x7e: {  	(tag) =	ssettag $0x2  }
0x7f: {  	s0 =	rddreg [dreg:$0x0];
	s2 =	stileid.u32  }
0x80: {  	s1 =	rddreg [dreg:$0x1];
	p0 =	sne.s32 s2, $0x0  }
0x81: {  	s3 =	rddreg [dreg:$0x2];
	[bflag:$0x3] =	sbarrier.arrive $0xFFFF;
	s2 =	simm.s32 @!p0 $0x1C03  }
0x82: {  	[timem:s3], [sflag:s2] =	dma.local @!p0 [hbm:s0], s1  }
0x83: {  	s0 =	simm.s32 @!p0 $0x3  }
0x84: {  	_ =	swait.ge @!p0 [sflag:s0], s1  }
0x85: {  	s1 =	ssub.s32 @!p0 $0x0, s1;
	[sflag:s0] =	ssyncset.done @!p0 $0x0  }
0x86: {  	[sflag:s0] =	ssyncadd.s32 @!p0 s1  }
0x87: {  	[bflag:$0x3] =	sbarrier.arrive $0xFFFF  }
0x88: {  	_ =	shalt  }

// kernel: kernel.9.cloned.1.call-start
scs
__scs_entry_jumppad:
0x0: {  	(pc) =	sbr.rel $0x88, $3  }
0x1: {  	(tag) =	ssettag $0x0;
	lr =	simm.s32 $0x1  }
0x2: {  	[smem:$0x3F81] =	sst lr;
	_ =	strace $0xD0000000  }
0x3: {  	_ = 	snop  }
0x4: {  	_ = 	snop  }
0x5: {  	_ = 	snop  }
0x6: {  	_ = 	snop  }
0x7: {  	_ = 	snop  }
__scs_overlays_trampoline_lowered:
0x8: {  	[smem:$0x3F90] =	sst s0  }
0x9: {  	[smem:$0x3F91] =	sst s1  }
0xa: {  	[smem:$0x3F92] =	sst s2  }
0xb: {  	[smem:$0x3F93] =	sst s3  }
0xc: {  	[smem:$0x3F94] =	sst s4  }
0xd: {  	[smem:$0x3F95] =	sst s5  }
0xe: {  	[smem:$0x3F96] =	sst s6  }
0xf: {  	[smem:$0x3F97] =	sst s7  }
0x10: {  	[smem:$0x3F98] =	sst s8  }
0x11: {  	[smem:$0x3F99] =	sst s9;
	s0 =	simm.s32 @!p0 $0x0  }
0x12: {  	s1 =	sld [smem:$0x3F7F];
	s0 =	simm.s32 @p0 $0x1  }
0x13: {  	[smem:$0x3F9A] =	sst s0;
	s0 =	simm.s32 @!p1 $0x0  }
0x14: {  	s2 =	sld [smem:$0x3F7E];
	s0 =	simm.s32 @p1 $0x1  }
0x15: {  	[smem:$0x3F9B] =	sst s0;
	s0 =	simm.s32 @!p2 $0x0  }
0x16: {  	s3 =	sld [smem:$0x3FDB];
	s0 =	simm.s32 @p2 $0x1  }
0x17: {  	s4 =	simm.s32 $0x1BF5;
	[smem:$0x3F9D] =	sst s0  }
0x18: {  	s0 =	sld [smem:$0x3F80];
	_ =	swait.ge [sflag:s4], $0x0  }
0x19: {  	s7 =	sld [smem:$0x3F81]  }
0x1a: {  	s8 =	sadd.s32 $0xFFFFE003, lr  }
0x1b: {  	s9 =	sadd.s32 $0xFFFFFEF7, lr;
	s5 =	simm.s32 $0xFFFFFFFF;
	p2 =	slt.u32 s8, $0xFFFFF086  }
0x1c: {  	p1 =	slt.u32 s9, $0xF7A;
	s5 =	simm.s32 @!p2 $0x0  }
0x1d: {  	s5 =	simm.s32 @p1 $0x1;
	p0 =	seq.s32 s7, s2  }
0x1e: {  	s7 =	smul.u32 @!p0 $0xF7A, s2;
	p2 =	seq.s32 @!p0 s5, $0x0  }
0x1f: {  	s9 =	smul.u32 $0xF7A, s1;
	s8 =	simm.s32 @!p0 $0x1BF5;
	p2 =	por !p2, p0  }
0x20: {  	[sflag:s8] =	ssyncset.s32 @!p0 $0xFFFFF086;
	s6 =	sadd.s32 @!p0 s3, s7;
	s7 =	simm.s32 @!p0 $0x108  }
0x21: {  	s3 =	sadd.s32 s3, s9;
	s6 =	sadd.s32 @!p0 $0x88, s6;
	s7 =	simm.s32 @p2 $0x1082  }
0x22: {  	[simem:s7], [sflag:s8] =	dma.local @!p0 [hbm:s6], $0xF7A  }
0x23: {  	s9 =	sor.u32 $0xD0000000, s2;
	s6 =	simm.s32 $0x108;
	_ =	swait.ge @!p0 [sflag:s8], $0x0  }
0x24: {  	s3 =	sadd.s32 $0x88, s3;
	s6 =	simm.s32 @!p1 $0x1082;
	[sflag:s4] =	ssyncset.s32 $0xFFFFF086  }
0x25: {  	[simem:s6], [sflag:s4] =	dma.local [hbm:s3], $0xF7A  }
0x26: {  	[smem:$0x3F81] =	sst s1;
	(tag) =	ssettag s2;
	_ =	strace s9  }
0x27: {  	s1 =	sld [smem:$0x3F91]  }
0x28: {  	s2 =	sld [smem:$0x3F92]  }
0x29: {  	s4 =	sld [smem:$0x3F94]  }
0x2a: {  	p0 =	seq.s32 s5, $0x0;
	s5 =	sld [smem:$0x3F95]  }
0x2b: {  	s6 =	sld [smem:$0x3F96]  }
0x2c: {  	s7 =	sld [smem:$0x3F97]  }
0x2d: {  	s3 =	simm.s32 $0x108;
	s8 =	sld [smem:$0x3F98]  }
0x2e: {  	s3 =	simm.s32 @!p0 $0x1082;
	s9 =	sld [smem:$0x3F99]  }
0x2f: {  	lr =	sadd.s32 s0, s3;
	s0 =	sld [smem:$0x3F90]  }
0x30: {  	s3 =	sld [smem:$0x3F93]  }
0x31: {  	[smem:$0x3F9C] =	sst s10  }
0x32: {  	s10 =	sld [smem:$0x3F9A];
	_ =	sdelay $0x3  }
0x33: {  	p0 =	seq.s32 s10, $0x1;
	s10 =	sld [smem:$0x3F9C];
	_ =	sdelay $0x3  }
0x34: {  	[smem:$0x3F9C] =	sst s10  }
0x35: {  	s10 =	sld [smem:$0x3F9B];
	_ =	sdelay $0x3  }
0x36: {  	p1 =	seq.s32 s10, $0x1;
	s10 =	sld [smem:$0x3F9C];
	_ =	sdelay $0x3  }
0x37: {  	[smem:$0x3F9C] =	sst s10  }
0x38: {  	s10 =	sld [smem:$0x3F9D]  }
0x39: {  	_ = 	snop;
	(pc) =	sbr.ind lr, $3  }
0x3a: {  	_ = 	snop  }
0x3b: {  	_ = 	snop  }
0x3c: {  	p2 =	seq.s32 s10, $0x1;
	s10 =	sld [smem:$0x3F9C]  }
0x3d: {  	_ =	shalt  }
0x3e: {  	_ =	shalt  }
0x3f: {  	_ =	shalt  }
0x40: {  	_ =	shalt  }
0x41: {  	_ =	shalt  }
0x42: {  	_ =	shalt  }
0x43: {  	_ =	shalt  }
0x44: {  	_ =	shalt  }
0x45: {  	_ =	shalt  }
0x46: {  	_ =	shalt  }
0x47: {  	_ =	shalt  }
0x48: {  	_ =	shalt  }
0x49: {  	_ =	shalt  }
0x4a: {  	_ =	shalt  }
0x4b: {  	_ =	shalt  }
0x4c: {  	_ =	shalt  }
0x4d: {  	_ =	shalt  }
0x4e: {  	_ =	shalt  }
0x4f: {  	_ =	shalt  }
0x50: {  	_ =	shalt  }
0x51: {  	_ =	shalt  }
0x52: {  	_ =	shalt  }
0x53: {  	_ =	shalt  }
0x54: {  	_ =	shalt  }
0x55: {  	_ =	shalt  }
0x56: {  	_ =	shalt  }
0x57: {  	_ =	shalt  }
0x58: {  	_ =	shalt  }
0x59: {  	_ =	shalt  }
0x5a: {  	_ =	shalt  }
0x5b: {  	_ =	shalt  }
0x5c: {  	_ =	shalt  }
0x5d: {  	_ =	shalt  }
0x5e: {  	_ =	shalt  }
0x5f: {  	_ =	shalt  }
0x60: {  	_ =	shalt  }
0x61: {  	_ =	shalt  }
0x62: {  	_ =	shalt  }
0x63: {  	_ =	shalt  }
0x64: {  	_ =	shalt  }
0x65: {  	_ =	shalt  }
0x66: {  	_ =	shalt  }
0x67: {  	_ =	shalt  }
0x68: {  	_ =	shalt  }
0x69: {  	_ =	shalt  }
0x6a: {  	_ =	shalt  }
0x6b: {  	_ =	shalt  }
0x6c: {  	_ =	shalt  }
0x6d: {  	_ =	shalt  }
0x6e: {  	_ =	shalt  }
0x6f: {  	_ =	shalt  }
0x70: {  	_ =	shalt  }
0x71: {  	_ =	shalt  }
0x72: {  	_ =	shalt  }
0x73: {  	_ =	shalt  }
0x74: {  	_ =	shalt  }
0x75: {  	_ =	shalt  }
0x76: {  	_ =	shalt  }
0x77: {  	_ =	shalt  }
0x78: {  	_ =	shalt  }
0x79: {  	_ =	shalt  }
0x7a: {  	_ =	shalt  }
0x7b: {  	_ =	shalt  }
0x7c: {  	_ =	shalt  }
0x7d: {  	_ =	shalt  }
0x7e: {  	_ =	shalt  }
0x7f: {  	_ =	shalt  }
0x80: {  	_ =	shalt  }
0x81: {  	_ =	shalt  }
0x82: {  	_ =	shalt  }
0x83: {  	_ =	shalt  }
0x84: {  	_ =	shalt  }
0x85: {  	_ =	shalt  }
0x86: {  	_ =	shalt  }
0x87: {  	_ =	shalt  }
.Lfunc_end0:
.L_simem_size_0:
called_computation.1_lowered:
.L_overlay_start_0:
0x88: {  	s2 =	sld [smem:$0x3FD9]  }
0x89: {  	s3 =	sld [smem:$0x3FFE];
	_ =	sdelay $0x1  }
0x8a: {  	s1 =	srdreg.scid  }
0x8b: {  	s0 =	sand.u32 $0x1, s1  }
0x8c: {  	s17 =	sshll.u32 s0, $0xA;
	s2 =	sadd.s32 s3, s2  }
0x8d: {  	s2 =	sadd.s32 s2, s17  }
0x8e: {  	[smem:$0x3FA8] =	sst s2  }
0x8f: {  	_ = 	snop  }
0x90: {  	s2 =	sld [smem:$0x3FC7];
	(tm) =	ssettm $0x1  }
0x91: {  	s18 =	sld [smem:$0x3FFB];
	_ =	sdelay $0x3  }
0x92: {  	_ =	strace s18  }
0x93: {  	s3 =	sld [smem:$0x3FFC];
	_ =	sdelay $0x3  }
0x94: {  	_ =	strace s3  }
0x95: {  	s3 =	sld [smem:$0x3FFD];
	_ =	sdelay $0x3  }
0x96: {  	_ =	strace s3  }
0x97: {  	_ =	strace $0x8FFFFFFF  }
0x98: {  	s19 =	sld [smem:$0x3FDB];
	_ =	sdelay $0x1  }
0x99: {  	s4 =	simm.s32 $_scs_section_size  }
0x9a: {  	s5 =	simm.s32 $_size__tile_overlayer_lowered;
	s6 =	simm.s32 $_tile_overlayer_lowered  }
0x9b: {  	s22 =	simm.s32 $0x1BFF;
	s21 =	sshll.u32 s6, $0x1;
	s3 =	sadd.s32 s4, s19  }
0x9c: {  	s7 =	simm.s32 $0x0;
	s20 =	sshll.u32 s5, $0x1;
	s5 =	sadd.s32 s21, s3  }
0x9d: {  	[timem:s7], [sflag:s22] =	dma.local [hbm:s5], s20  }
0x9e: {  	_ =	swait.ge [sflag:s22], s20  }
0x9f: {  	s4 =	ssub.s32 $0x0, s20;
	[sflag:s22] =	ssyncset.done $0x0  }
0xa0: {  	[sflag:s22] =	ssyncadd.s32 s4;
	_ =	sdelay $0x1  }
0xa1: {  	s23 =	simm.s32 $0x1B8B  }
0xa2: {  	_ =	swait.ge [sflag:s23], $0x1  }
0xa3: {  	[sflag:s23] =	ssyncset.done $0x0  }
0xa4: {  	s25 =	simm.s32 $0x1B8E;
	s24 =	sld [smem:$0x3FFE];
	[sflag:s23] =	ssyncadd.s32 $0xFFFFFFFF  }
0xa5: {  	s26 =	simm.s32 $execute0_lowered;
	[smem:$0x3FD2] =	sst s25  }
0xa6: {  	s5 =	sshll.u32 s26, $0x1;
	_ =	strace $0x80000049;
	[dreg:$0x1] =	wrdreg $0xFFFFFFFF  }
0xa7: {  	s28 =	simm.s32 $_size_execute0_lowered;
	s3 =	sadd.s32 s3, s5;
	[dreg:$0x0] =	wrdreg $0x0  }
0xa8: {  	s5 =	sshll.u32 s28, $0x1;
	[dreg:$0x2] =	wrdreg s3  }
0xa9: {  	[dreg:$0x3] =	wrdreg s5  }
0xaa: {  	[dreg:$0x4] =	wrdreg $0xC0  }
0xab: {  	_ =	task [dreg:s7], $0x5FFFF  }
0xac: {  	[dreg:$0x1] =	wrdreg $0xFFFFFFFF  }
0xad: {  	[dreg:$0x0] =	wrdreg $0x60  }
0xae: {  	[dreg:$0x2] =	wrdreg s24  }
0xaf: {  	[dreg:$0x3] =	wrdreg s2  }
0xb0: {  	[dreg:$0x4] =	wrdreg $0x61000  }
0xb1: {  	[dreg:$0x5] =	wrdreg $0x9  }
0xb2: {  	_ =	task.clear_ibuf [dreg:s7], $0x6FFFF;
	_ =	strace $0x90000049  }
0xb3: {  	s29 =	simm.s32 $0x9;
	_ =	strace $0x8000004B  }
0xb4: {  	_ =	swait.ge [sflag:s29], $0x1  }
0xb5: {  	[sflag:s29] =	ssyncadd.s32 $0xFFFFFFFF  }
0xb6: {  	_ =	strace $0x9000004B  }
0xb7: {  	_ =	sfence  }
0xb8: {  	s30 =	sld [smem:$0x0];
	_ =	sdelay $0x2  }
0xb9: {  	s31 =	sshll.u32 s1, $0xD;
	s1 =	sshrl.u32 s1, $0x2  }
0xba: {  	s3 =	sand.u32 $0x4000, s31;
	s1 =	sadd.s32 s1, s30  }
0xbb: {  	s0 =	sor.u32 s3, s0;
	s1 =	sshll.u32 s1, $0x11  }
0xbc: {  	s0 =	sor.u32 s1, s0  }
0xbd: {  	s0 =	sadd.s32 $0x8F2B, s0  }
0xbe: {  	[sflag:s0] =	ssyncadd.remote.s32 $0x1  }
0xbf: {  	_ =	sfence.sel $0xFFFF  }
0xc0: {  	[dreg:$0x0] =	wrdreg $0xFFFFFFFF;
	(pc) =	sbr.abs _section_cstart, $3  }
0xc1: {  	[dreg:$0x1] =	wrdreg $0xFFFFFFFF  }
0xc2: {  	_ =	task.clear_ibuf [dreg:s7], $0x2FFFF;
	_ =	strace $0x9FFFFFFF  }
0xc3: {  	(tm) =	ssettm $0x7FFFFFFF  }
tec
execute0_lowered:
.L_overlay_start_1:
0x0: {  	(tag) =	ssettag $0x1  }
0x1: {  	s8 =	rddreg [dreg:$0x0]  }
0x2: {  	s1 =	rddreg [dreg:$0x1]  }
0x3: {  	s2 =	rddreg [dreg:$0x2]  }
0x4: {  	s0 =	rddreg [dreg:$0x3];
	s4 =	simm.s32 $0x0;
	s3 =	stileid.u32  }
0x5: {  	s6 =	srdreg.scid;
	s15 =	simm.s32 $0x50;
	s16 =	simm.s32 $0x1100  }
0x6: {  	s17 =	simm.s32 $0x1080;
	s18 =	simm.s32 $0x3900;
	s19 =	simm.s32 $0x1  }
0x7: {  	s20 =	simm.s32 $0x2;
	s21 =	simm.s32 $0x1000;
	[smem:$0x7FF] =	sst s4  }
0x8: {  	s5 =	sadd.s32 $0xB3200, s8;
	s22 =	smul.u32 $0x2800, s3;
	s9 =	sand.u32 $0x1, s6  }
0x9: {  	s6 =	sadd.s32 $0xA200, s8;
	s7 =	sadd.s32 $0x400, s8;
	s13 =	smul.u32 $0x50000, s3  }
0xa: {  	s31 =	sshll.u32 s3, $0x6;
	_ =	strace $0x8000004A;
	s10 =	smul.u32 $0x28000, s9  }
0xb: {  	s12 =	ssub.s32 $0x2, s9;
	s9 =	sshll.u32 s9, $0x4;
	s11 =	sadd.s32 s22, s8  }
0xc: {  	s28 =	sshrl.u32 s12, $0x1;
	s29 =	sor.u32 s3, s9;
	s30 =	sshrl.u32 s13, $0x2  }
0xd: {  	s14 =	sadd.s32 s10, s8;
	s12 =	ssub.s32 s12, s28;
	s8 =	smul.u32 $0x2710, s29  }
0xe: {  	s13 =	sadd.s32 s30, s2;
	s9 =	sadd.s32 $0x14000, s11;
	s10 =	sor.u32 $0x1C03, s31  }
0xf: {  	s23 =	sadd.s32 $0x3C000, s14;
	s11 =	smax.u32 s12, $0x1;
	s12 =	sshrl.u32 s13, $0x3  }
0x10: {  	v0 =	vlaneseq.u32;
	s13 =	simm.s32 $0x3;
	s14 =	simm.s32 $0x800;
	s22 =	sadd.s32 s22, s23  }
.LBB2_1:
0x11: {  	[spmem:s12], [sflag:s10] =	dma.local [hbm:s9], $0x2800  }
0x12: {  	_ =	swait.ge [sflag:s13], $0x2800  }
0x13: {  	[sflag:s13] =	ssyncset.done $0x0  }
0x14: {  	[sflag:s13] =	ssyncadd.s32 $0xFFFFD800  }
0x15: {  	s23 =	simm.s32 $0x0;
	[bflag:$0x0] =	sbarrier.arrive $0xFFFF  }
.LBB2_2:
0x16: {  	s24 =	smul.u32 $0x7D0, s23;
	_ =	sdelay $0x1  }
0x17: {  	s24 =	sadd.s32 s8, s24  }
0x18: {  	s26 =	sshrl.u32 s24, $0x3  }
0x19: {  	s25 =	simm.s32 $0x0;
	s28 =	sadd.s32 s6, s26  }
0x1a: {  	[tilespmem:s25], [sflag:$0x3] =	stream.linear.gather [hbm4b:s28+s25], $0x7D0, $0x38;
	[tilespmem:$0x1A100] =	vst v63  }
0x1b: {  	_ =	swait.ge [sflag:s13], $0x7D0  }
0x1c: {  	[sflag:s13] =	ssyncset.done $0x0  }
0x1d: {  	s26 =	sadd.s32 s7, s26;
	[sflag:s13] =	ssyncadd.s32 $0xFFFFF830  }
0x1e: {  	[tilespmem:s14], [sflag:$0x3] =	stream.linear.gather [hbm4b:s26+s25], $0x7D0, $0x38;
	[tilespmem:$0x1A100] =	vst v63  }
0x1f: {  	_ =	swait.ge [sflag:s13], $0x7D0  }
0x20: {  	[sflag:s13] =	ssyncset.done $0x0  }
0x21: {  	[sflag:s13] =	ssyncadd.s32 $0xFFFFF830  }
.LBB2_3:
0x22: {  	s26 =	smul.u32 $0x50, s25;
	_ =	sdelay $0x1  }
0x23: {  	s28 =	sadd.s32 s24, s26  }
0x24: {  	v1 =	vor.u32 s28, v0  }
0x25: {  	[tilespmem:$0x1080] =	vst v1  }
0x26: {  	v1 =	vld [tilespmem:s26+$0x800];
	_ =	sdelay $0x3  }
0x27: {  	s29 =	sadd.s32 $0x10, s28  }
0x28: {  	[tilespmem:$0x1000] =	vst v1;
	v1 =	vor.u32 s29, v0  }
0x29: {  	[tilespmem:$0x1090] =	vst v1  }
0x2a: {  	v1 =	vld [tilespmem:s26+$0x810];
	_ =	sdelay $0x3  }
0x2b: {  	s30 =	sadd.s32 $0x20, s28  }
0x2c: {  	[tilespmem:$0x1010] =	vst v1;
	v1 =	vor.u32 s30, v0  }
0x2d: {  	[tilespmem:$0x10A0] =	vst v1  }
0x2e: {  	v1 =	vld [tilespmem:s26+$0x820];
	_ =	sdelay $0x3  }
0x2f: {  	s31 =	sadd.s32 $0x30, s28  }
0x30: {  	[tilespmem:$0x1020] =	vst v1;
	v1 =	vor.u32 s31, v0  }
0x31: {  	[tilespmem:$0x10B0] =	vst v1  }
0x32: {  	v1 =	vld [tilespmem:s26+$0x830];
	_ =	sdelay $0x3  }
0x33: {  	s28 =	sadd.s32 $0x40, s28  }
0x34: {  	[tilespmem:$0x1030] =	vst v1;
	v1 =	vor.u32 s28, v0  }
0x35: {  	[tilespmem:$0x10C0] =	vst v1  }
0x36: {  	v1 =	vld [tilespmem:s26+$0x840];
	_ =	sdelay $0x4  }
0x37: {  	[tilespmem:$0x1040] =	vst v1  }
0x38: {  	[tilespmem:s16], [sflag:$0x1] =	stream.indirect.gather [hbm4b:s5+s15], $0x80, s26, s15, $0xb8;
	[tilespmem:$0x1A100] =	vst v63  }
0x39: {  	_ = 	snop  }
0x3a: {  	[tilespmem:s18], [sflag:$0x2] =	stream.indirect.gather [hbm4b:s1+s15], $0x80, s17, s15, $0xb8;
	[tilespmem:$0x1A100] =	vst v63  }
0x3b: {  	_ =	swait.ge [sflag:s19], $0x2800  }
0x3c: {  	[sflag:s19] =	ssyncset.done $0x0  }
0x3d: {  	[sflag:s19] =	ssyncadd.s32 $0xFFFFD800  }
0x3e: {  	_ =	swait.ge [sflag:s20], $0x2800  }
0x3f: {  	[sflag:s20] =	ssyncset.done $0x0  }
0x40: {  	s26 =	simm.s32 $0x0;
	[sflag:s20] =	ssyncadd.s32 $0xFFFFD800  }
0x41: {  	v7 =	vld [tilespmem:s26+$0x3900]  }
0x42: {  	v12 =	vld [tilespmem:s26+$0x3910]  }
0x43: {  	v6 =	vld [tilespmem:s26+$0x3920]  }
0x44: {  	v5 =	vld [tilespmem:s26+$0x3930]  }
0x45: {  	v4 =	vld [tilespmem:s26+$0x3940]  }
0x46: {  	v3 =	vld [tilespmem:s26+$0x3950]  }
0x47: {  	v2 =	vld [tilespmem:s26+$0x3960]  }
0x48: {  	v1 =	vld [tilespmem:s26+$0x3970]  }
0x49: {  	v13 =	vld [tilespmem:s26+$0x1100]  }
0x4a: {  	v14 =	vld [tilespmem:s26+$0x1110]  }
0x4b: {  	v11 =	vld [tilespmem:s26+$0x1120]  }
0x4c: {  	v10 =	vld [tilespmem:s26+$0x1130]  }
0x4d: {  	v9 =	vld [tilespmem:s26+$0x1140]  }
0x4e: {  	v8 =	vld [tilespmem:s26+$0x1150];
	v13 =	vadd.f32 v7, v13  }
0x4f: {  	s28 =	simm.s32 $0x200;
	v12 =	vadd.f32 v12, v14;
	v7 =	vld [tilespmem:s26+$0x1160]  }
.LBB2_4:
0x50: {  	s29 =	sshra.s32 s28, $0x2;
	p0 =	sne.s32 s28, $0x9E00;
	v13 =	vmax.f32 v13, $0.0e+00;
	v6 =	vadd.f32 v6, v11;
	v11 =	vld [tilespmem:s26+$0x1170]  }
0x51: {  	v14 =	vld [tilespmem:s29+$0x3900];
	[tilespmem:s26+$0x1100] =	vst v13;
	v12 =	vmax.f32 v12, $0.0e+00;
	v5 =	vadd.f32 v5, v10  }
0x52: {  	v15 =	vld [tilespmem:s29+$0x3910];
	[tilespmem:s26+$0x1110] =	vst v12;
	v10 =	vmax.f32 v6, $0.0e+00;
	v4 =	vadd.f32 v4, v9  }
0x53: {  	v6 =	vld [tilespmem:s29+$0x3920];
	[tilespmem:s26+$0x1120] =	vst v10;
	v9 =	vmax.f32 v5, $0.0e+00;
	v3 =	vadd.f32 v3, v8  }
0x54: {  	v5 =	vld [tilespmem:s29+$0x3930];
	[tilespmem:s26+$0x1130] =	vst v9;
	v8 =	vmax.f32 v4, $0.0e+00;
	v2 =	vadd.f32 v2, v7  }
0x55: {  	v4 =	vld [tilespmem:s29+$0x3940];
	[tilespmem:s26+$0x1140] =	vst v8;
	v7 =	vmax.f32 v3, $0.0e+00;
	v1 =	vadd.f32 v1, v11  }
0x56: {  	v3 =	vld [tilespmem:s29+$0x3950];
	[tilespmem:s26+$0x1150] =	vst v7;
	v7 =	vmax.f32 v2, $0.0e+00  }
0x57: {  	v2 =	vld [tilespmem:s29+$0x3960];
	[tilespmem:s26+$0x1160] =	vst v7;
	v7 =	vmax.f32 v1, $0.0e+00  }
0x58: {  	v1 =	vld [tilespmem:s29+$0x3970];
	[tilespmem:s26+$0x1170] =	vst v7;
	s26 =	smov.u32 s29  }
0x59: {  	v7 =	vld [tilespmem:s26+$0x1100]  }
0x5a: {  	v12 =	vld [tilespmem:s26+$0x1110]  }
.Ltmp0:
0x5b: {  	v11 =	vld [tilespmem:s26+$0x1120];
	(pc) =	sbr.rel @p0 .LBB2_4-.Ltmp0, $4  }
0x5c: {  	v10 =	vld [tilespmem:s26+$0x1130]  }
0x5d: {  	v9 =	vld [tilespmem:s26+$0x1140]  }
0x5e: {  	v13 =	vadd.f32 v14, v7;
	v8 =	vld [tilespmem:s26+$0x1150]  }
0x5f: {  	s28 =	sadd.s32 $0x200, s28;
	v12 =	vadd.f32 v15, v12;
	v7 =	vld [tilespmem:s26+$0x1160]  }
0x60: {  	v13 =	vmax.f32 v13, $0.0e+00;
	v6 =	vadd.f32 v6, v11;
	v63 =	vld [tilespmem:s26+$0x1170]  }
0x61: {  	[tilespmem:s26+$0x1100] =	vst v13;
	v12 =	vmax.f32 v12, $0.0e+00;
	v5 =	vadd.f32 v5, v10  }
0x62: {  	[tilespmem:s26+$0x1110] =	vst v12;
	v6 =	vmax.f32 v6, $0.0e+00;
	v4 =	vadd.f32 v4, v9  }
0x63: {  	[tilespmem:s26+$0x1120] =	vst v6;
	v5 =	vmax.f32 v5, $0.0e+00;
	v3 =	vadd.f32 v3, v8  }
0x64: {  	[tilespmem:s26+$0x1130] =	vst v5;
	v4 =	vmax.f32 v4, $0.0e+00;
	v2 =	vadd.f32 v2, v7  }
0x65: {  	[tilespmem:s26+$0x1140] =	vst v4;
	v3 =	vmax.f32 v3, $0.0e+00;
	v1 =	vadd.f32 v1, v63  }
0x66: {  	s25 =	sadd.s32 $0x1, s25;
	[tilespmem:s26+$0x1150] =	vst v3;
	v2 =	vmax.f32 v2, $0.0e+00  }
0x67: {  	p0 =	sne.s32 s25, $0x19;
	[tilespmem:s26+$0x1160] =	vst v2;
	v1 =	vmax.f32 v1, $0.0e+00  }
.Ltmp1:
0x68: {  	[tilespmem:s26+$0x1170] =	vst v1;
	(pc) =	sbr.rel @p0 .LBB2_3-.Ltmp1, $4  }
0x69: {  	[spmem:s2] =	stream.indirect.scatter.add.f32 [tilespmem:s16], [sflag:$0x3], $0x80, s21, s15, $0xb8;
	[tilespmem:$0x1A100] =	vst v63  }
0x6a: {  	_ =	swait.ge [sflag:s13], $0x2800  }
0x6b: {  	[sflag:s13] =	ssyncset.done $0x0  }
0x6c: {  	[sflag:s13] =	ssyncadd.s32 $0xFFFFD800  }
0x6d: {  	s23 =	sadd.s32 $0x1, s23  }
0x6e: {  	p0 =	sne.s32 s23, $0x5  }
.Ltmp2:
0x6f: {  	_ = 	snop;
	(pc) =	sbr.rel @p0 .LBB2_2-.Ltmp2, $1  }
0x70: {  	_ =	sdelay $0x3  }
0x71: {  	s4 =	sadd.s32 $0x1, s4  }
0x72: {  	p0 =	sne.s32 s4, s11  }
.Ltmp3:
0x73: {  	[bflag:$0x0] =	sbarrier.arrive $0xFFFF;
	(pc) =	sbr.rel @p0 .LBB2_1-.Ltmp3, $4  }
0x74: {  	[hbm:s22], [sflag:s10] =	dma.local [spmem:s12], $0x2800  }
0x75: {  	_ =	swait.ge [sflag:s13], $0x2800  }
0x76: {  	[sflag:s13] =	ssyncset.done $0x0  }
0x77: {  	[sflag:s13] =	ssyncadd.s32 $0xFFFFD800  }
0x78: {  	_ =	sfence.sel $0x180000  }
0x79: {  	[bflag:$0x0] =	sbarrier.arrive $0xFFFF  }
0x7a: {  	p0 =	sne.s32 s3, $0x0;
	_ =	strace $0x9000004A  }
0x7b: {  	s0 =	sadd.s32 @!p0 $0x100000, s0;
	[bflag:$0x2] =	sbarrier.arrive $0xFFFF  }
0x7c: {  	[sflag:s0] =	ssyncadd.tile.s32 @!p0 $0x1;
	_ =	shalt  }
.Lfunc_end2:
_tile_overlayer_lowered:
.L_overlay_start_2:
0x7d: {  	(tag) =	ssettag $0x2  }
0x7e: {  	s0 =	rddreg [dreg:$0x0];
	s2 =	stileid.u32  }
0x7f: {  	s1 =	rddreg [dreg:$0x1];
	p0 =	sne.s32 s2, $0x0  }
0x80: {  	s3 =	rddreg [dreg:$0x2];
	[bflag:$0x3] =	sbarrier.arrive $0xFFFF;
	s2 =	simm.s32 @!p0 $0x1C03  }
0x81: {  	[timem:s3], [sflag:s2] =	dma.local @!p0 [hbm:s0], s1  }
0x82: {  	s0 =	simm.s32 @!p0 $0x3  }
0x83: {  	_ =	swait.ge @!p0 [sflag:s0], s1  }
0x84: {  	s1 =	ssub.s32 @!p0 $0x0, s1;
	[sflag:s0] =	ssyncset.done @!p0 $0x0  }
0x85: {  	[sflag:s0] =	ssyncadd.s32 @!p0 s1  }
0x86: {  	[bflag:$0x3] =	sbarrier.arrive $0xFFFF  }
0x87: {  	_ =	shalt  }

</sc_bundles>
